<compile_context>
chip_gen: v7x
topology: tpu7x:2x2x1
jax: 0.10.2.dev20260603
libtpu: 0.0.44.dev20260713+nightly
codegen_flags: <defaults>
</compile_context>

<pallas_src>
import functools

import jax
import jax.numpy as jnp
from jax import lax
from jax.experimental import pallas as pl
from jax.experimental.pallas import tpu as pltpu
from jax.experimental.pallas import tpu_sc as plsc

K = 16
N_COUT = 64
QBLK = 256
_HI = jax.lax.Precision.HIGHEST


def _select_kernel(xyz_ref, xyzT8_ref, w1t_ref, idx_ref, pw_ref):
    b = pl.program_id(0)
    qi = pl.program_id(1)
    pts = xyz_ref[0, :, :]
    n = pts.shape[0]

    @pl.when(qi == 0)
    def _():
        pw_ref[0, :, :] = jnp.dot(pts, w1t_ref[...], precision=_HI)

    qT = xyzT8_ref[0, :, pl.ds(qi * QBLK, QBLK)]
    dx = pts[:, 0:1] - qT[0:1, :]
    dy = pts[:, 1:2] - qT[1:2, :]
    dz = pts[:, 2:3] - qT[2:3, :]
    dist = (dx * dx + dy * dy) + dz * dz

    row_iota = jax.lax.broadcasted_iota(jnp.int32, (n, QBLK), 0)
    col_gidx = jax.lax.broadcasted_iota(jnp.int32, (n, QBLK), 1) + qi * QBLK
    inf = jnp.float32(jnp.inf)
    dist = jnp.where(row_iota == col_gidx, inf, dist)

    rows = []
    for _ in range(K):
        m = jnp.min(dist, axis=0, keepdims=True)
        cand = jnp.where(dist == m, row_iota, n)
        jsel = jnp.min(cand, axis=0, keepdims=True)
        dist = jnp.where(row_iota == jsel, inf, dist)
        rows.append(jsel + b * n)
    idx_ref[0, :, :] = jnp.concatenate(rows, axis=0)


def _conv_kernel(g_ref, xyzq_ref, w1t_ref, w2t_ref, out_ref):
    qpts = xyzq_ref[0, :, :]
    w1q = jnp.dot(qpts, w1t_ref[...], precision=_HI)
    w2t = w2t_ref[...]
    w2h = w2t.astype(jnp.bfloat16)
    w2l = (w2t - w2h.astype(jnp.float32)).astype(jnp.bfloat16)

    acc = jnp.full((QBLK, N_COUT), -jnp.inf, dtype=jnp.float32)
    for k in range(K):
        h1 = jnp.maximum(g_ref[0, k, :, :N_COUT] - w1q, 0.0)
        h1h = h1.astype(jnp.bfloat16)
        h1l = (h1 - h1h.astype(jnp.float32)).astype(jnp.bfloat16)
        h2 = (jnp.dot(h1h, w2h, preferred_element_type=jnp.float32)
              + (jnp.dot(h1h, w2l, preferred_element_type=jnp.float32)
                 + jnp.dot(h1l, w2h, preferred_element_type=jnp.float32)))
        acc = jnp.maximum(acc, h2)
    out_ref[0, :, :] = acc


def _sc_gather_body(table_hbm, idx_hbm, out_hbm, idx_v, rows_v, sem):
    c = lax.axis_index("c")
    s = lax.axis_index("s")
    wid = s * 2 + c
    rows_per_worker = 1024
    chunk = 512
    for ch in range(rows_per_worker // chunk):
        base = wid * rows_per_worker + ch * chunk
        pltpu.sync_copy(idx_hbm.at[pl.ds(base, chunk)], idx_v)
        pltpu.async_copy(table_hbm.at[idx_v], rows_v, sem).wait()
        pltpu.sync_copy(rows_v, out_hbm.at[pl.ds(base, chunk)])


@jax.jit
def kernel(xyz, W1, W2):
    B, N, _ = xyz.shape
    xyzT8 = jnp.zeros((B, 8, N), jnp.float32).at[:, :3, :].set(
        jnp.transpose(xyz, (0, 2, 1)))
    w1t = jnp.transpose(W1, (1, 0))
    w2t = jnp.transpose(W2, (1, 0))

    grid = (1, N // QBLK)
    mesh = plsc.VectorSubcoreMesh(core_axis_name="c", subcore_axis_name="s")

    outs = []
    for b in range(B):
        idx, pw = pl.pallas_call(
            _select_kernel,
            grid=grid,
            in_specs=[
                pl.BlockSpec((1, N, 3), lambda _, q: (0, 0, 0)),
                pl.BlockSpec((1, 8, N), lambda _, q: (0, 0, 0)),
                pl.BlockSpec((3, N_COUT), lambda _, q: (0, 0)),
            ],
            out_specs=[
                pl.BlockSpec((1, K, QBLK), lambda _, q: (0, 0, q)),
                pl.BlockSpec((1, N, N_COUT), lambda _, q: (0, 0, 0)),
            ],
            out_shape=[
                jax.ShapeDtypeStruct((1, K, N), jnp.int32),
                jax.ShapeDtypeStruct((1, N, N_COUT), jnp.float32),
            ],
        )(xyz[b:b + 1], xyzT8[b:b + 1], w1t)

        idx_flat = idx.reshape(K * N)
        pw_pad = jnp.zeros((N, 128), jnp.float32).at[:, :N_COUT].set(
            pw.reshape(N, N_COUT))

        g_flat = pl.kernel(
            _sc_gather_body,
            out_type=jax.ShapeDtypeStruct((K * N, 128), jnp.float32),
            mesh=mesh,
            scratch_types=[
                pltpu.VMEM((512,), jnp.int32),
                pltpu.VMEM((512, 128), jnp.float32),
                pltpu.SemaphoreType.DMA,
            ],
        )(pw_pad, idx_flat)

        g4 = g_flat.reshape(1, K, N, 128)

        out_nc = pl.pallas_call(
            _conv_kernel,
            grid=grid,
            in_specs=[
                pl.BlockSpec((1, K, QBLK, 128), lambda _, q: (0, 0, q, 0)),
                pl.BlockSpec((1, QBLK, 3), lambda _, q: (0, q, 0)),
                pl.BlockSpec((3, N_COUT), lambda _, q: (0, 0)),
                pl.BlockSpec((N_COUT, N_COUT), lambda _, q: (0, 0)),
            ],
            out_specs=pl.BlockSpec((1, QBLK, N_COUT), lambda _, q: (0, q, 0)),
            out_shape=jax.ShapeDtypeStruct((1, N, N_COUT), jnp.float32),
        )(g4, xyz[b:b + 1], w1t, w2t)
        outs.append(out_nc)

    return jnp.transpose(jnp.concatenate(outs, axis=0), (0, 2, 1))

# --- scband reference (transcript-rebuilt; emitter-appended) ---
"""Pipeline reference for scband-pointcnn-15616501088308 (READ-ONLY COPY).

The authoritative reference and input builder live on the scoring server;
editing this copy changes nothing except your own understanding.
"""

import jax, jax.numpy as jnp
import numpy as np

K = 16
N_COUT = 64


def setup_inputs(seed: int = 0) -> dict:
    key = jax.random.key(seed)
    k1, k2, k3 = jax.random.split(key, 3)
    xyz = jax.random.normal(k1, (4, 2048, 3), dtype=jnp.float32)
    # Conv2d(3, n_cout, 1x1, bias=False) -> weight (n_cout, 3)
    W1 = jax.random.normal(k2, (N_COUT, 3), dtype=jnp.float32) * 0.1
    # Conv2d(n_cout, n_cout, 1x1, bias=False) -> weight (n_cout, n_cout)
    W2 = jax.random.normal(k3, (N_COUT, N_COUT), dtype=jnp.float32) * 0.1
    return {"xyz": xyz, "W1": W1, "W2": W2}


def _knn_idx(xyz, k):
    # knn_point: brute-force pairwise L2, top-k of negative distance
    diff = xyz[:, None, :, :] - xyz[:, :, None, :]  # (B, N, N, 3)
    dist = jnp.sum(diff ** 2, axis=-1)              # (B, N, N)
    _, idx = jax.lax.top_k(-dist, k)                # (B, N, k)
    return idx


def reference(xyz, W1, W2):
    # forward uses xyz.detach() for grouping
    xyz_sg = jax.lax.stop_gradient(xyz)
    idx = _knn_idx(xyz_sg, K + 1)          # k*dilation + 1 with dilation=1
    idx = idx[:, :, 1:]                     # drop self, keep K neighbors
    # grouping_operation: gather neighbor coords -> (B, N, K, 3)
    grouped = jax.vmap(lambda pts, ii: pts[ii])(xyz_sg, idx)
    grouped = grouped - xyz_sg[:, :, None, :]  # center-relative offsets
    # conv1 (1x1) + relu : channels-last einsum over coord dim
    h = jax.nn.relu(jnp.einsum('oc,bnkc->bnko', W1, grouped))  # (B, N, K, C)
    # conv_list[0] (1x1, no relu since idx == n_blocks-2), then max over K
    h2 = jnp.einsum('oc,bnkc->bnko', W2, h)                    # (B, N, K, C)
    out = jnp.max(h2, axis=2)                                   # (B, N, C)
    out = jnp.transpose(out, (0, 2, 1))                         # (B, C, N)
    return out

if __name__ == "__main__":
    import jax
    _d = setup_inputs()
    print(jax.jit(kernel)(*tuple(_d.values())))

</pallas_src>

<mosaic_0001>
#map = affine_map<(d0, d1) -> (0, 0)>
#map1 = affine_map<(d0, d1) -> (0)>
module attributes {stable_mosaic.version = 14 : i64} {
  func.func @_sc_gather_body(%arg0: i32, %arg1: i32, %arg2: memref<2048x128xf32, #tpu.memory_space<hbm>>, %arg3: memref<32768xi32, #tpu.memory_space<hbm>>, %arg4: memref<32768x128xf32, #tpu.memory_space<hbm>>, %arg5: memref<512xi32, #tpu.memory_space<vmem>>, %arg6: memref<512x128xf32, #tpu.memory_space<vmem>>, %arg7: memref<!tpu.dma_semaphore, #tpu.memory_space<semaphore_mem>>) attributes {dimension_semantics = [#tpu.dimension_semantics<core_parallel>, #tpu.dimension_semantics<subcore_parallel>], iteration_bounds = array<i64: 2, 16>, scalar_prefetch = 0 : i64, scratch_operands = 3 : i64, tpu.core_type = #tpu.core_type<sc_vector_subcore>, window_params = [{transform_indices = #map}, {transform_indices = #map1}, {transform_indices = #map}]} {
    %mul3A = arith.constant 2 : i32
    %mul3A_0 = arith.muli %arg1, %mul3A : i32
    %add3A = arith.addi %mul3A_0, %arg0 : i32
    %mul3A_1 = arith.constant 1024 : i32
    %mul3A_2 = arith.muli %add3A, %mul3A_1 : i32
    %add3A_3 = arith.constant 0 : i32
    %add3A_4 = arith.addi %mul3A_2, %add3A_3 : i32
    "tpu.region"() ({
      %run_scoped3A = tpu.sem_alloc : memref<!tpu.dma_semaphore, #tpu.memory_space<semaphore_mem>>
      %dma_start3A_19 = tpu.memref_slice %arg3[%add3A_4] : memref<32768xi32, #tpu.memory_space<hbm>> -> memref<512xi32, #tpu.memory_space<hbm>>
      %dma_start3A_20 = tpu.memref_slice %arg3[%add3A_4] : memref<32768xi32, #tpu.memory_space<hbm>> -> memref<512xi32, #tpu.memory_space<hbm>>
      tpu.enqueue_dma source(%dma_start3A_20 : memref<512xi32, #tpu.memory_space<hbm>>) target(%arg5 : memref<512xi32, #tpu.memory_space<vmem>>) target_semaphore(%run_scoped3A : memref<!tpu.dma_semaphore, #tpu.memory_space<semaphore_mem>>)
      %dma_wait3A_21 = tpu.memref_slice %arg3[%add3A_4] : memref<32768xi32, #tpu.memory_space<hbm>> -> memref<512xi32, #tpu.memory_space<hbm>>
      %dma_wait3A_22 = tpu.memref_slice %arg3[%add3A_4] : memref<32768xi32, #tpu.memory_space<hbm>> -> memref<512xi32, #tpu.memory_space<hbm>>
      tpu.wait_dma2 semaphore(%run_scoped3A : memref<!tpu.dma_semaphore, #tpu.memory_space<semaphore_mem>>) src(%dma_wait3A_22 : memref<512xi32, #tpu.memory_space<hbm>>) dst(%arg5 : memref<512xi32, #tpu.memory_space<vmem>>)
      tpu.yield
    }) : () -> ()
    %dma_start3A = arith.constant 0 : i32
    %dma_start3A_5 = arith.constant 0 : i32
    %dma_start3A_6 = tpu.memref_slice %arg2[%dma_start3A, %dma_start3A_5] : memref<2048x128xf32, #tpu.memory_space<hbm>> -> memref<2048x128xf32, #tpu.memory_space<hbm>>
    tpu.enqueue_indirect_dma source(%dma_start3A_6 : memref<2048x128xf32, #tpu.memory_space<hbm>>) target(%arg6 : memref<512x128xf32, #tpu.memory_space<vmem>>) offsets(%arg5 : memref<512xi32, #tpu.memory_space<vmem>>) semaphore(%arg7 : memref<!tpu.dma_semaphore, #tpu.memory_space<semaphore_mem>>)
    %dma_wait3A = arith.constant 0 : i32
    %dma_wait3A_7 = arith.constant 0 : i32
    %dma_wait3A_8 = tpu.memref_slice %arg2[%dma_wait3A, %dma_wait3A_7] : memref<2048x128xf32, #tpu.memory_space<hbm>> -> memref<2048x128xf32, #tpu.memory_space<hbm>>
    tpu.wait_indirect_dma semaphore(%arg7 : memref<!tpu.dma_semaphore, #tpu.memory_space<semaphore_mem>>) src(%dma_wait3A_8 : memref<2048x128xf32, #tpu.memory_space<hbm>>) dst(%arg6 : memref<512x128xf32, #tpu.memory_space<vmem>>)
    "tpu.region"() ({
      %run_scoped3A = tpu.sem_alloc : memref<!tpu.dma_semaphore, #tpu.memory_space<semaphore_mem>>
      %dma_start3A_19 = arith.constant 0 : i32
      %dma_start3A_20 = tpu.memref_slice %arg4[%add3A_4, %dma_start3A_19] : memref<32768x128xf32, #tpu.memory_space<hbm>> -> memref<512x128xf32, #tpu.memory_space<hbm>>
      %dma_start3A_21 = arith.constant 0 : i32
      %dma_start3A_22 = tpu.memref_slice %arg4[%add3A_4, %dma_start3A_21] : memref<32768x128xf32, #tpu.memory_space<hbm>> -> memref<512x128xf32, #tpu.memory_space<hbm>>
      tpu.enqueue_dma source(%arg6 : memref<512x128xf32, #tpu.memory_space<vmem>>) target(%dma_start3A_22 : memref<512x128xf32, #tpu.memory_space<hbm>>) target_semaphore(%run_scoped3A : memref<!tpu.dma_semaphore, #tpu.memory_space<semaphore_mem>>)
      %dma_wait3A_23 = arith.constant 0 : i32
      %dma_wait3A_24 = tpu.memref_slice %arg4[%add3A_4, %dma_wait3A_23] : memref<32768x128xf32, #tpu.memory_space<hbm>> -> memref<512x128xf32, #tpu.memory_space<hbm>>
      %dma_wait3A_25 = arith.constant 0 : i32
      %dma_wait3A_26 = tpu.memref_slice %arg4[%add3A_4, %dma_wait3A_25] : memref<32768x128xf32, #tpu.memory_space<hbm>> -> memref<512x128xf32, #tpu.memory_space<hbm>>
      tpu.wait_dma2 semaphore(%run_scoped3A : memref<!tpu.dma_semaphore, #tpu.memory_space<semaphore_mem>>) src(%arg6 : memref<512x128xf32, #tpu.memory_space<vmem>>) dst(%dma_wait3A_26 : memref<512x128xf32, #tpu.memory_space<hbm>>)
      tpu.yield
    }) : () -> ()
    %mul3A_9 = arith.constant 1024 : i32
    %mul3A_10 = arith.muli %add3A, %mul3A_9 : i32
    %add3A_11 = arith.constant 512 : i32
    %add3A_12 = arith.addi %mul3A_10, %add3A_11 : i32
    "tpu.region"() ({
      %run_scoped3A = tpu.sem_alloc : memref<!tpu.dma_semaphore, #tpu.memory_space<semaphore_mem>>
      %dma_start3A_19 = tpu.memref_slice %arg3[%add3A_12] : memref<32768xi32, #tpu.memory_space<hbm>> -> memref<512xi32, #tpu.memory_space<hbm>>
      %dma_start3A_20 = tpu.memref_slice %arg3[%add3A_12] : memref<32768xi32, #tpu.memory_space<hbm>> -> memref<512xi32, #tpu.memory_space<hbm>>
      tpu.enqueue_dma source(%dma_start3A_20 : memref<512xi32, #tpu.memory_space<hbm>>) target(%arg5 : memref<512xi32, #tpu.memory_space<vmem>>) target_semaphore(%run_scoped3A : memref<!tpu.dma_semaphore, #tpu.memory_space<semaphore_mem>>)
      %dma_wait3A_21 = tpu.memref_slice %arg3[%add3A_12] : memref<32768xi32, #tpu.memory_space<hbm>> -> memref<512xi32, #tpu.memory_space<hbm>>
      %dma_wait3A_22 = tpu.memref_slice %arg3[%add3A_12] : memref<32768xi32, #tpu.memory_space<hbm>> -> memref<512xi32, #tpu.memory_space<hbm>>
      tpu.wait_dma2 semaphore(%run_scoped3A : memref<!tpu.dma_semaphore, #tpu.memory_space<semaphore_mem>>) src(%dma_wait3A_22 : memref<512xi32, #tpu.memory_space<hbm>>) dst(%arg5 : memref<512xi32, #tpu.memory_space<vmem>>)
      tpu.yield
    }) : () -> ()
    %dma_start3A_13 = arith.constant 0 : i32
    %dma_start3A_14 = arith.constant 0 : i32
    %dma_start3A_15 = tpu.memref_slice %arg2[%dma_start3A_13, %dma_start3A_14] : memref<2048x128xf32, #tpu.memory_space<hbm>> -> memref<2048x128xf32, #tpu.memory_space<hbm>>
    tpu.enqueue_indirect_dma source(%dma_start3A_15 : memref<2048x128xf32, #tpu.memory_space<hbm>>) target(%arg6 : memref<512x128xf32, #tpu.memory_space<vmem>>) offsets(%arg5 : memref<512xi32, #tpu.memory_space<vmem>>) semaphore(%arg7 : memref<!tpu.dma_semaphore, #tpu.memory_space<semaphore_mem>>)
    %dma_wait3A_16 = arith.constant 0 : i32
    %dma_wait3A_17 = arith.constant 0 : i32
    %dma_wait3A_18 = tpu.memref_slice %arg2[%dma_wait3A_16, %dma_wait3A_17] : memref<2048x128xf32, #tpu.memory_space<hbm>> -> memref<2048x128xf32, #tpu.memory_space<hbm>>
    tpu.wait_indirect_dma semaphore(%arg7 : memref<!tpu.dma_semaphore, #tpu.memory_space<semaphore_mem>>) src(%dma_wait3A_18 : memref<2048x128xf32, #tpu.memory_space<hbm>>) dst(%arg6 : memref<512x128xf32, #tpu.memory_space<vmem>>)
    "tpu.region"() ({
      %run_scoped3A = tpu.sem_alloc : memref<!tpu.dma_semaphore, #tpu.memory_space<semaphore_mem>>
      %dma_start3A_19 = arith.constant 0 : i32
      %dma_start3A_20 = tpu.memref_slice %arg4[%add3A_12, %dma_start3A_19] : memref<32768x128xf32, #tpu.memory_space<hbm>> -> memref<512x128xf32, #tpu.memory_space<hbm>>
      %dma_start3A_21 = arith.constant 0 : i32
      %dma_start3A_22 = tpu.memref_slice %arg4[%add3A_12, %dma_start3A_21] : memref<32768x128xf32, #tpu.memory_space<hbm>> -> memref<512x128xf32, #tpu.memory_space<hbm>>
      tpu.enqueue_dma source(%arg6 : memref<512x128xf32, #tpu.memory_space<vmem>>) target(%dma_start3A_22 : memref<512x128xf32, #tpu.memory_space<hbm>>) target_semaphore(%run_scoped3A : memref<!tpu.dma_semaphore, #tpu.memory_space<semaphore_mem>>)
      %dma_wait3A_23 = arith.constant 0 : i32
      %dma_wait3A_24 = tpu.memref_slice %arg4[%add3A_12, %dma_wait3A_23] : memref<32768x128xf32, #tpu.memory_space<hbm>> -> memref<512x128xf32, #tpu.memory_space<hbm>>
      %dma_wait3A_25 = arith.constant 0 : i32
      %dma_wait3A_26 = tpu.memref_slice %arg4[%add3A_12, %dma_wait3A_25] : memref<32768x128xf32, #tpu.memory_space<hbm>> -> memref<512x128xf32, #tpu.memory_space<hbm>>
      tpu.wait_dma2 semaphore(%run_scoped3A : memref<!tpu.dma_semaphore, #tpu.memory_space<semaphore_mem>>) src(%arg6 : memref<512x128xf32, #tpu.memory_space<vmem>>) dst(%dma_wait3A_26 : memref<512x128xf32, #tpu.memory_space<hbm>>)
      tpu.yield
    }) : () -> ()
    return
  }
}

#map = affine_map<(d0, d1) -> (0, 0)>
#map1 = affine_map<(d0, d1) -> (0)>
module attributes {stable_mosaic.version = 14 : i64} {
  func.func @_sc_gather_body(%arg0: i32, %arg1: i32, %arg2: memref<2048x128xf32, #tpu.memory_space<hbm>>, %arg3: memref<32768xi32, #tpu.memory_space<hbm>>, %arg4: memref<32768x128xf32, #tpu.memory_space<hbm>>, %arg5: memref<512xi32, #tpu.memory_space<vmem>>, %arg6: memref<512x128xf32, #tpu.memory_space<vmem>>, %arg7: memref<!tpu.dma_semaphore, #tpu.memory_space<semaphore_mem>>) attributes {dimension_semantics = [#tpu.dimension_semantics<core_parallel>, #tpu.dimension_semantics<subcore_parallel>], iteration_bounds = array<i64: 2, 16>, scalar_prefetch = 0 : i64, scratch_operands = 3 : i64, tpu.core_type = #tpu.core_type<sc_vector_subcore>, window_params = [{transform_indices = #map}, {transform_indices = #map1}, {transform_indices = #map}]} {
    %mul3A = arith.constant 2 : i32
    %mul3A_0 = arith.muli %arg1, %mul3A : i32
    %add3A = arith.addi %mul3A_0, %arg0 : i32
    %mul3A_1 = arith.constant 1024 : i32
    %mul3A_2 = arith.muli %add3A, %mul3A_1 : i32
    %add3A_3 = arith.constant 0 : i32
    %add3A_4 = arith.addi %mul3A_2, %add3A_3 : i32
    "tpu.region"() ({
      %run_scoped3A = tpu.sem_alloc : memref<!tpu.dma_semaphore, #tpu.memory_space<semaphore_mem>>
      %dma_start3A_19 = tpu.memref_slice %arg3[%add3A_4] : memref<32768xi32, #tpu.memory_space<hbm>> -> memref<512xi32, #tpu.memory_space<hbm>>
      %dma_start3A_20 = tpu.memref_slice %arg3[%add3A_4] : memref<32768xi32, #tpu.memory_space<hbm>> -> memref<512xi32, #tpu.memory_space<hbm>>
      tpu.enqueue_dma source(%dma_start3A_20 : memref<512xi32, #tpu.memory_space<hbm>>) target(%arg5 : memref<512xi32, #tpu.memory_space<vmem>>) target_semaphore(%run_scoped3A : memref<!tpu.dma_semaphore, #tpu.memory_space<semaphore_mem>>)
      %dma_wait3A_21 = tpu.memref_slice %arg3[%add3A_4] : memref<32768xi32, #tpu.memory_space<hbm>> -> memref<512xi32, #tpu.memory_space<hbm>>
      %dma_wait3A_22 = tpu.memref_slice %arg3[%add3A_4] : memref<32768xi32, #tpu.memory_space<hbm>> -> memref<512xi32, #tpu.memory_space<hbm>>
      tpu.wait_dma2 semaphore(%run_scoped3A : memref<!tpu.dma_semaphore, #tpu.memory_space<semaphore_mem>>) src(%dma_wait3A_22 : memref<512xi32, #tpu.memory_space<hbm>>) dst(%arg5 : memref<512xi32, #tpu.memory_space<vmem>>)
      tpu.yield
    }) : () -> ()
    %dma_start3A = arith.constant 0 : i32
    %dma_start3A_5 = arith.constant 0 : i32
    %dma_start3A_6 = tpu.memref_slice %arg2[%dma_start3A, %dma_start3A_5] : memref<2048x128xf32, #tpu.memory_space<hbm>> -> memref<2048x128xf32, #tpu.memory_space<hbm>>
    tpu.enqueue_indirect_dma source(%dma_start3A_6 : memref<2048x128xf32, #tpu.memory_space<hbm>>) target(%arg6 : memref<512x128xf32, #tpu.memory_space<vmem>>) offsets(%arg5 : memref<512xi32, #tpu.memory_space<vmem>>) semaphore(%arg7 : memref<!tpu.dma_semaphore, #tpu.memory_space<semaphore_mem>>)
    %dma_wait3A = arith.constant 0 : i32
    %dma_wait3A_7 = arith.constant 0 : i32
    %dma_wait3A_8 = tpu.memref_slice %arg2[%dma_wait3A, %dma_wait3A_7] : memref<2048x128xf32, #tpu.memory_space<hbm>> -> memref<2048x128xf32, #tpu.memory_space<hbm>>
    tpu.wait_indirect_dma semaphore(%arg7 : memref<!tpu.dma_semaphore, #tpu.memory_space<semaphore_mem>>) src(%dma_wait3A_8 : memref<2048x128xf32, #tpu.memory_space<hbm>>) dst(%arg6 : memref<512x128xf32, #tpu.memory_space<vmem>>)
    "tpu.region"() ({
      %run_scoped3A = tpu.sem_alloc : memref<!tpu.dma_semaphore, #tpu.memory_space<semaphore_mem>>
      %dma_start3A_19 = arith.constant 0 : i32
      %dma_start3A_20 = tpu.memref_slice %arg4[%add3A_4, %dma_start3A_19] : memref<32768x128xf32, #tpu.memory_space<hbm>> -> memref<512x128xf32, #tpu.memory_space<hbm>>
      %dma_start3A_21 = arith.constant 0 : i32
      %dma_start3A_22 = tpu.memref_slice %arg4[%add3A_4, %dma_start3A_21] : memref<32768x128xf32, #tpu.memory_space<hbm>> -> memref<512x128xf32, #tpu.memory_space<hbm>>
      tpu.enqueue_dma source(%arg6 : memref<512x128xf32, #tpu.memory_space<vmem>>) target(%dma_start3A_22 : memref<512x128xf32, #tpu.memory_space<hbm>>) target_semaphore(%run_scoped3A : memref<!tpu.dma_semaphore, #tpu.memory_space<semaphore_mem>>)
      %dma_wait3A_23 = arith.constant 0 : i32
      %dma_wait3A_24 = tpu.memref_slice %arg4[%add3A_4, %dma_wait3A_23] : memref<32768x128xf32, #tpu.memory_space<hbm>> -> memref<512x128xf32, #tpu.memory_space<hbm>>
      %dma_wait3A_25 = arith.constant 0 : i32
      %dma_wait3A_26 = tpu.memref_slice %arg4[%add3A_4, %dma_wait3A_25] : memref<32768x128xf32, #tpu.memory_space<hbm>> -> memref<512x128xf32, #tpu.memory_space<hbm>>
      tpu.wait_dma2 semaphore(%run_scoped3A : memref<!tpu.dma_semaphore, #tpu.memory_space<semaphore_mem>>) src(%arg6 : memref<512x128xf32, #tpu.memory_space<vmem>>) dst(%dma_wait3A_26 : memref<512x128xf32, #tpu.memory_space<hbm>>)
      tpu.yield
    }) : () -> ()
    %mul3A_9 = arith.constant 1024 : i32
    %mul3A_10 = arith.muli %add3A, %mul3A_9 : i32
    %add3A_11 = arith.constant 512 : i32
    %add3A_12 = arith.addi %mul3A_10, %add3A_11 : i32
    "tpu.region"() ({
      %run_scoped3A = tpu.sem_alloc : memref<!tpu.dma_semaphore, #tpu.memory_space<semaphore_mem>>
      %dma_start3A_19 = tpu.memref_slice %arg3[%add3A_12] : memref<32768xi32, #tpu.memory_space<hbm>> -> memref<512xi32, #tpu.memory_space<hbm>>
      %dma_start3A_20 = tpu.memref_slice %arg3[%add3A_12] : memref<32768xi32, #tpu.memory_space<hbm>> -> memref<512xi32, #tpu.memory_space<hbm>>
      tpu.enqueue_dma source(%dma_start3A_20 : memref<512xi32, #tpu.memory_space<hbm>>) target(%arg5 : memref<512xi32, #tpu.memory_space<vmem>>) target_semaphore(%run_scoped3A : memref<!tpu.dma_semaphore, #tpu.memory_space<semaphore_mem>>)
      %dma_wait3A_21 = tpu.memref_slice %arg3[%add3A_12] : memref<32768xi32, #tpu.memory_space<hbm>> -> memref<512xi32, #tpu.memory_space<hbm>>
      %dma_wait3A_22 = tpu.memref_slice %arg3[%add3A_12] : memref<32768xi32, #tpu.memory_space<hbm>> -> memref<512xi32, #tpu.memory_space<hbm>>
      tpu.wait_dma2 semaphore(%run_scoped3A : memref<!tpu.dma_semaphore, #tpu.memory_space<semaphore_mem>>) src(%dma_wait3A_22 : memref<512xi32, #tpu.memory_space<hbm>>) dst(%arg5 : memref<512xi32, #tpu.memory_space<vmem>>)
      tpu.yield
    }) : () -> ()
    %dma_start3A_13 = arith.constant 0 : i32
    %dma_start3A_14 = arith.constant 0 : i32
    %dma_start3A_15 = tpu.memref_slice %arg2[%dma_start3A_13, %dma_start3A_14] : memref<2048x128xf32, #tpu.memory_space<hbm>> -> memref<2048x128xf32, #tpu.memory_space<hbm>>
    tpu.enqueue_indirect_dma source(%dma_start3A_15 : memref<2048x128xf32, #tpu.memory_space<hbm>>) target(%arg6 : memref<512x128xf32, #tpu.memory_space<vmem>>) offsets(%arg5 : memref<512xi32, #tpu.memory_space<vmem>>) semaphore(%arg7 : memref<!tpu.dma_semaphore, #tpu.memory_space<semaphore_mem>>)
    %dma_wait3A_16 = arith.constant 0 : i32
    %dma_wait3A_17 = arith.constant 0 : i32
    %dma_wait3A_18 = tpu.memref_slice %arg2[%dma_wait3A_16, %dma_wait3A_17] : memref<2048x128xf32, #tpu.memory_space<hbm>> -> memref<2048x128xf32, #tpu.memory_space<hbm>>
    tpu.wait_indirect_dma semaphore(%arg7 : memref<!tpu.dma_semaphore, #tpu.memory_space<semaphore_mem>>) src(%dma_wait3A_18 : memref<2048x128xf32, #tpu.memory_space<hbm>>) dst(%arg6 : memref<512x128xf32, #tpu.memory_space<vmem>>)
    "tpu.region"() ({
      %run_scoped3A = tpu.sem_alloc : memref<!tpu.dma_semaphore, #tpu.memory_space<semaphore_mem>>
      %dma_start3A_19 = arith.constant 0 : i32
      %dma_start3A_20 = tpu.memref_slice %arg4[%add3A_12, %dma_start3A_19] : memref<32768x128xf32, #tpu.memory_space<hbm>> -> memref<512x128xf32, #tpu.memory_space<hbm>>
      %dma_start3A_21 = arith.constant 0 : i32
      %dma_start3A_22 = tpu.memref_slice %arg4[%add3A_12, %dma_start3A_21] : memref<32768x128xf32, #tpu.memory_space<hbm>> -> memref<512x128xf32, #tpu.memory_space<hbm>>
      tpu.enqueue_dma source(%arg6 : memref<512x128xf32, #tpu.memory_space<vmem>>) target(%dma_start3A_22 : memref<512x128xf32, #tpu.memory_space<hbm>>) target_semaphore(%run_scoped3A : memref<!tpu.dma_semaphore, #tpu.memory_space<semaphore_mem>>)
      %dma_wait3A_23 = arith.constant 0 : i32
      %dma_wait3A_24 = tpu.memref_slice %arg4[%add3A_12, %dma_wait3A_23] : memref<32768x128xf32, #tpu.memory_space<hbm>> -> memref<512x128xf32, #tpu.memory_space<hbm>>
      %dma_wait3A_25 = arith.constant 0 : i32
      %dma_wait3A_26 = tpu.memref_slice %arg4[%add3A_12, %dma_wait3A_25] : memref<32768x128xf32, #tpu.memory_space<hbm>> -> memref<512x128xf32, #tpu.memory_space<hbm>>
      tpu.wait_dma2 semaphore(%run_scoped3A : memref<!tpu.dma_semaphore, #tpu.memory_space<semaphore_mem>>) src(%arg6 : memref<512x128xf32, #tpu.memory_space<vmem>>) dst(%dma_wait3A_26 : memref<512x128xf32, #tpu.memory_space<hbm>>)
      tpu.yield
    }) : () -> ()
    return
  }
}

#map = affine_map<(d0, d1) -> (0, 0)>
#map1 = affine_map<(d0, d1) -> (0)>
module attributes {stable_mosaic.version = 14 : i64} {
  func.func @_sc_gather_body(%arg0: i32, %arg1: i32, %arg2: memref<2048x128xf32, #tpu.memory_space<hbm>>, %arg3: memref<32768xi32, #tpu.memory_space<hbm>>, %arg4: memref<32768x128xf32, #tpu.memory_space<hbm>>, %arg5: memref<512xi32, #tpu.memory_space<vmem>>, %arg6: memref<512x128xf32, #tpu.memory_space<vmem>>, %arg7: memref<!tpu.dma_semaphore, #tpu.memory_space<semaphore_mem>>) attributes {dimension_semantics = [#tpu.dimension_semantics<core_parallel>, #tpu.dimension_semantics<subcore_parallel>], iteration_bounds = array<i64: 2, 16>, scalar_prefetch = 0 : i64, scratch_operands = 3 : i64, tpu.core_type = #tpu.core_type<sc_vector_subcore>, window_params = [{transform_indices = #map}, {transform_indices = #map1}, {transform_indices = #map}]} {
    %mul3A = arith.constant 2 : i32
    %mul3A_0 = arith.muli %arg1, %mul3A : i32
    %add3A = arith.addi %mul3A_0, %arg0 : i32
    %mul3A_1 = arith.constant 1024 : i32
    %mul3A_2 = arith.muli %add3A, %mul3A_1 : i32
    %add3A_3 = arith.constant 0 : i32
    %add3A_4 = arith.addi %mul3A_2, %add3A_3 : i32
    "tpu.region"() ({
      %run_scoped3A = tpu.sem_alloc : memref<!tpu.dma_semaphore, #tpu.memory_space<semaphore_mem>>
      %dma_start3A_19 = tpu.memref_slice %arg3[%add3A_4] : memref<32768xi32, #tpu.memory_space<hbm>> -> memref<512xi32, #tpu.memory_space<hbm>>
      %dma_start3A_20 = tpu.memref_slice %arg3[%add3A_4] : memref<32768xi32, #tpu.memory_space<hbm>> -> memref<512xi32, #tpu.memory_space<hbm>>
      tpu.enqueue_dma source(%dma_start3A_20 : memref<512xi32, #tpu.memory_space<hbm>>) target(%arg5 : memref<512xi32, #tpu.memory_space<vmem>>) target_semaphore(%run_scoped3A : memref<!tpu.dma_semaphore, #tpu.memory_space<semaphore_mem>>)
      %dma_wait3A_21 = tpu.memref_slice %arg3[%add3A_4] : memref<32768xi32, #tpu.memory_space<hbm>> -> memref<512xi32, #tpu.memory_space<hbm>>
      %dma_wait3A_22 = tpu.memref_slice %arg3[%add3A_4] : memref<32768xi32, #tpu.memory_space<hbm>> -> memref<512xi32, #tpu.memory_space<hbm>>
      tpu.wait_dma2 semaphore(%run_scoped3A : memref<!tpu.dma_semaphore, #tpu.memory_space<semaphore_mem>>) src(%dma_wait3A_22 : memref<512xi32, #tpu.memory_space<hbm>>) dst(%arg5 : memref<512xi32, #tpu.memory_space<vmem>>)
      tpu.yield
    }) : () -> ()
    %dma_start3A = arith.constant 0 : i32
    %dma_start3A_5 = arith.constant 0 : i32
    %dma_start3A_6 = tpu.memref_slice %arg2[%dma_start3A, %dma_start3A_5] : memref<2048x128xf32, #tpu.memory_space<hbm>> -> memref<2048x128xf32, #tpu.memory_space<hbm>>
    tpu.enqueue_indirect_dma source(%dma_start3A_6 : memref<2048x128xf32, #tpu.memory_space<hbm>>) target(%arg6 : memref<512x128xf32, #tpu.memory_space<vmem>>) offsets(%arg5 : memref<512xi32, #tpu.memory_space<vmem>>) semaphore(%arg7 : memref<!tpu.dma_semaphore, #tpu.memory_space<semaphore_mem>>)
    %dma_wait3A = arith.constant 0 : i32
    %dma_wait3A_7 = arith.constant 0 : i32
    %dma_wait3A_8 = tpu.memref_slice %arg2[%dma_wait3A, %dma_wait3A_7] : memref<2048x128xf32, #tpu.memory_space<hbm>> -> memref<2048x128xf32, #tpu.memory_space<hbm>>
    tpu.wait_indirect_dma semaphore(%arg7 : memref<!tpu.dma_semaphore, #tpu.memory_space<semaphore_mem>>) src(%dma_wait3A_8 : memref<2048x128xf32, #tpu.memory_space<hbm>>) dst(%arg6 : memref<512x128xf32, #tpu.memory_space<vmem>>)
    "tpu.region"() ({
      %run_scoped3A = tpu.sem_alloc : memref<!tpu.dma_semaphore, #tpu.memory_space<semaphore_mem>>
      %dma_start3A_19 = arith.constant 0 : i32
      %dma_start3A_20 = tpu.memref_slice %arg4[%add3A_4, %dma_start3A_19] : memref<32768x128xf32, #tpu.memory_space<hbm>> -> memref<512x128xf32, #tpu.memory_space<hbm>>
      %dma_start3A_21 = arith.constant 0 : i32
      %dma_start3A_22 = tpu.memref_slice %arg4[%add3A_4, %dma_start3A_21] : memref<32768x128xf32, #tpu.memory_space<hbm>> -> memref<512x128xf32, #tpu.memory_space<hbm>>
      tpu.enqueue_dma source(%arg6 : memref<512x128xf32, #tpu.memory_space<vmem>>) target(%dma_start3A_22 : memref<512x128xf32, #tpu.memory_space<hbm>>) target_semaphore(%run_scoped3A : memref<!tpu.dma_semaphore, #tpu.memory_space<semaphore_mem>>)
      %dma_wait3A_23 = arith.constant 0 : i32
      %dma_wait3A_24 = tpu.memref_slice %arg4[%add3A_4, %dma_wait3A_23] : memref<32768x128xf32, #tpu.memory_space<hbm>> -> memref<512x128xf32, #tpu.memory_space<hbm>>
      %dma_wait3A_25 = arith.constant 0 : i32
      %dma_wait3A_26 = tpu.memref_slice %arg4[%add3A_4, %dma_wait3A_25] : memref<32768x128xf32, #tpu.memory_space<hbm>> -> memref<512x128xf32, #tpu.memory_space<hbm>>
      tpu.wait_dma2 semaphore(%run_scoped3A : memref<!tpu.dma_semaphore, #tpu.memory_space<semaphore_mem>>) src(%arg6 : memref<512x128xf32, #tpu.memory_space<vmem>>) dst(%dma_wait3A_26 : memref<512x128xf32, #tpu.memory_space<hbm>>)
      tpu.yield
    }) : () -> ()
    %mul3A_9 = arith.constant 1024 : i32
    %mul3A_10 = arith.muli %add3A, %mul3A_9 : i32
    %add3A_11 = arith.constant 512 : i32
    %add3A_12 = arith.addi %mul3A_10, %add3A_11 : i32
    "tpu.region"() ({
      %run_scoped3A = tpu.sem_alloc : memref<!tpu.dma_semaphore, #tpu.memory_space<semaphore_mem>>
      %dma_start3A_19 = tpu.memref_slice %arg3[%add3A_12] : memref<32768xi32, #tpu.memory_space<hbm>> -> memref<512xi32, #tpu.memory_space<hbm>>
      %dma_start3A_20 = tpu.memref_slice %arg3[%add3A_12] : memref<32768xi32, #tpu.memory_space<hbm>> -> memref<512xi32, #tpu.memory_space<hbm>>
      tpu.enqueue_dma source(%dma_start3A_20 : memref<512xi32, #tpu.memory_space<hbm>>) target(%arg5 : memref<512xi32, #tpu.memory_space<vmem>>) target_semaphore(%run_scoped3A : memref<!tpu.dma_semaphore, #tpu.memory_space<semaphore_mem>>)
      %dma_wait3A_21 = tpu.memref_slice %arg3[%add3A_12] : memref<32768xi32, #tpu.memory_space<hbm>> -> memref<512xi32, #tpu.memory_space<hbm>>
      %dma_wait3A_22 = tpu.memref_slice %arg3[%add3A_12] : memref<32768xi32, #tpu.memory_space<hbm>> -> memref<512xi32, #tpu.memory_space<hbm>>
      tpu.wait_dma2 semaphore(%run_scoped3A : memref<!tpu.dma_semaphore, #tpu.memory_space<semaphore_mem>>) src(%dma_wait3A_22 : memref<512xi32, #tpu.memory_space<hbm>>) dst(%arg5 : memref<512xi32, #tpu.memory_space<vmem>>)
      tpu.yield
    }) : () -> ()
    %dma_start3A_13 = arith.constant 0 : i32
    %dma_start3A_14 = arith.constant 0 : i32
    %dma_start3A_15 = tpu.memref_slice %arg2[%dma_start3A_13, %dma_start3A_14] : memref<2048x128xf32, #tpu.memory_space<hbm>> -> memref<2048x128xf32, #tpu.memory_space<hbm>>
    tpu.enqueue_indirect_dma source(%dma_start3A_15 : memref<2048x128xf32, #tpu.memory_space<hbm>>) target(%arg6 : memref<512x128xf32, #tpu.memory_space<vmem>>) offsets(%arg5 : memref<512xi32, #tpu.memory_space<vmem>>) semaphore(%arg7 : memref<!tpu.dma_semaphore, #tpu.memory_space<semaphore_mem>>)
    %dma_wait3A_16 = arith.constant 0 : i32
    %dma_wait3A_17 = arith.constant 0 : i32
    %dma_wait3A_18 = tpu.memref_slice %arg2[%dma_wait3A_16, %dma_wait3A_17] : memref<2048x128xf32, #tpu.memory_space<hbm>> -> memref<2048x128xf32, #tpu.memory_space<hbm>>
    tpu.wait_indirect_dma semaphore(%arg7 : memref<!tpu.dma_semaphore, #tpu.memory_space<semaphore_mem>>) src(%dma_wait3A_18 : memref<2048x128xf32, #tpu.memory_space<hbm>>) dst(%arg6 : memref<512x128xf32, #tpu.memory_space<vmem>>)
    "tpu.region"() ({
      %run_scoped3A = tpu.sem_alloc : memref<!tpu.dma_semaphore, #tpu.memory_space<semaphore_mem>>
      %dma_start3A_19 = arith.constant 0 : i32
      %dma_start3A_20 = tpu.memref_slice %arg4[%add3A_12, %dma_start3A_19] : memref<32768x128xf32, #tpu.memory_space<hbm>> -> memref<512x128xf32, #tpu.memory_space<hbm>>
      %dma_start3A_21 = arith.constant 0 : i32
      %dma_start3A_22 = tpu.memref_slice %arg4[%add3A_12, %dma_start3A_21] : memref<32768x128xf32, #tpu.memory_space<hbm>> -> memref<512x128xf32, #tpu.memory_space<hbm>>
      tpu.enqueue_dma source(%arg6 : memref<512x128xf32, #tpu.memory_space<vmem>>) target(%dma_start3A_22 : memref<512x128xf32, #tpu.memory_space<hbm>>) target_semaphore(%run_scoped3A : memref<!tpu.dma_semaphore, #tpu.memory_space<semaphore_mem>>)
      %dma_wait3A_23 = arith.constant 0 : i32
      %dma_wait3A_24 = tpu.memref_slice %arg4[%add3A_12, %dma_wait3A_23] : memref<32768x128xf32, #tpu.memory_space<hbm>> -> memref<512x128xf32, #tpu.memory_space<hbm>>
      %dma_wait3A_25 = arith.constant 0 : i32
      %dma_wait3A_26 = tpu.memref_slice %arg4[%add3A_12, %dma_wait3A_25] : memref<32768x128xf32, #tpu.memory_space<hbm>> -> memref<512x128xf32, #tpu.memory_space<hbm>>
      tpu.wait_dma2 semaphore(%run_scoped3A : memref<!tpu.dma_semaphore, #tpu.memory_space<semaphore_mem>>) src(%arg6 : memref<512x128xf32, #tpu.memory_space<vmem>>) dst(%dma_wait3A_26 : memref<512x128xf32, #tpu.memory_space<hbm>>)
      tpu.yield
    }) : () -> ()
    return
  }
}

#map = affine_map<(d0, d1) -> (0, 0)>
#map1 = affine_map<(d0, d1) -> (0)>
module attributes {stable_mosaic.version = 14 : i64} {
  func.func @_sc_gather_body(%arg0: i32, %arg1: i32, %arg2: memref<2048x128xf32, #tpu.memory_space<hbm>>, %arg3: memref<32768xi32, #tpu.memory_space<hbm>>, %arg4: memref<32768x128xf32, #tpu.memory_space<hbm>>, %arg5: memref<512xi32, #tpu.memory_space<vmem>>, %arg6: memref<512x128xf32, #tpu.memory_space<vmem>>, %arg7: memref<!tpu.dma_semaphore, #tpu.memory_space<semaphore_mem>>) attributes {dimension_semantics = [#tpu.dimension_semantics<core_parallel>, #tpu.dimension_semantics<subcore_parallel>], iteration_bounds = array<i64: 2, 16>, scalar_prefetch = 0 : i64, scratch_operands = 3 : i64, tpu.core_type = #tpu.core_type<sc_vector_subcore>, window_params = [{transform_indices = #map}, {transform_indices = #map1}, {transform_indices = #map}]} {
    %mul3A = arith.constant 2 : i32
    %mul3A_0 = arith.muli %arg1, %mul3A : i32
    %add3A = arith.addi %mul3A_0, %arg0 : i32
    %mul3A_1 = arith.constant 1024 : i32
    %mul3A_2 = arith.muli %add3A, %mul3A_1 : i32
    %add3A_3 = arith.constant 0 : i32
    %add3A_4 = arith.addi %mul3A_2, %add3A_3 : i32
    "tpu.region"() ({
      %run_scoped3A = tpu.sem_alloc : memref<!tpu.dma_semaphore, #tpu.memory_space<semaphore_mem>>
      %dma_start3A_19 = tpu.memref_slice %arg3[%add3A_4] : memref<32768xi32, #tpu.memory_space<hbm>> -> memref<512xi32, #tpu.memory_space<hbm>>
      %dma_start3A_20 = tpu.memref_slice %arg3[%add3A_4] : memref<32768xi32, #tpu.memory_space<hbm>> -> memref<512xi32, #tpu.memory_space<hbm>>
      tpu.enqueue_dma source(%dma_start3A_20 : memref<512xi32, #tpu.memory_space<hbm>>) target(%arg5 : memref<512xi32, #tpu.memory_space<vmem>>) target_semaphore(%run_scoped3A : memref<!tpu.dma_semaphore, #tpu.memory_space<semaphore_mem>>)
      %dma_wait3A_21 = tpu.memref_slice %arg3[%add3A_4] : memref<32768xi32, #tpu.memory_space<hbm>> -> memref<512xi32, #tpu.memory_space<hbm>>
      %dma_wait3A_22 = tpu.memref_slice %arg3[%add3A_4] : memref<32768xi32, #tpu.memory_space<hbm>> -> memref<512xi32, #tpu.memory_space<hbm>>
      tpu.wait_dma2 semaphore(%run_scoped3A : memref<!tpu.dma_semaphore, #tpu.memory_space<semaphore_mem>>) src(%dma_wait3A_22 : memref<512xi32, #tpu.memory_space<hbm>>) dst(%arg5 : memref<512xi32, #tpu.memory_space<vmem>>)
      tpu.yield
    }) : () -> ()
    %dma_start3A = arith.constant 0 : i32
    %dma_start3A_5 = arith.constant 0 : i32
    %dma_start3A_6 = tpu.memref_slice %arg2[%dma_start3A, %dma_start3A_5] : memref<2048x128xf32, #tpu.memory_space<hbm>> -> memref<2048x128xf32, #tpu.memory_space<hbm>>
    tpu.enqueue_indirect_dma source(%dma_start3A_6 : memref<2048x128xf32, #tpu.memory_space<hbm>>) target(%arg6 : memref<512x128xf32, #tpu.memory_space<vmem>>) offsets(%arg5 : memref<512xi32, #tpu.memory_space<vmem>>) semaphore(%arg7 : memref<!tpu.dma_semaphore, #tpu.memory_space<semaphore_mem>>)
    %dma_wait3A = arith.constant 0 : i32
    %dma_wait3A_7 = arith.constant 0 : i32
    %dma_wait3A_8 = tpu.memref_slice %arg2[%dma_wait3A, %dma_wait3A_7] : memref<2048x128xf32, #tpu.memory_space<hbm>> -> memref<2048x128xf32, #tpu.memory_space<hbm>>
    tpu.wait_indirect_dma semaphore(%arg7 : memref<!tpu.dma_semaphore, #tpu.memory_space<semaphore_mem>>) src(%dma_wait3A_8 : memref<2048x128xf32, #tpu.memory_space<hbm>>) dst(%arg6 : memref<512x128xf32, #tpu.memory_space<vmem>>)
    "tpu.region"() ({
      %run_scoped3A = tpu.sem_alloc : memref<!tpu.dma_semaphore, #tpu.memory_space<semaphore_mem>>
      %dma_start3A_19 = arith.constant 0 : i32
      %dma_start3A_20 = tpu.memref_slice %arg4[%add3A_4, %dma_start3A_19] : memref<32768x128xf32, #tpu.memory_space<hbm>> -> memref<512x128xf32, #tpu.memory_space<hbm>>
      %dma_start3A_21 = arith.constant 0 : i32
      %dma_start3A_22 = tpu.memref_slice %arg4[%add3A_4, %dma_start3A_21] : memref<32768x128xf32, #tpu.memory_space<hbm>> -> memref<512x128xf32, #tpu.memory_space<hbm>>
      tpu.enqueue_dma source(%arg6 : memref<512x128xf32, #tpu.memory_space<vmem>>) target(%dma_start3A_22 : memref<512x128xf32, #tpu.memory_space<hbm>>) target_semaphore(%run_scoped3A : memref<!tpu.dma_semaphore, #tpu.memory_space<semaphore_mem>>)
      %dma_wait3A_23 = arith.constant 0 : i32
      %dma_wait3A_24 = tpu.memref_slice %arg4[%add3A_4, %dma_wait3A_23] : memref<32768x128xf32, #tpu.memory_space<hbm>> -> memref<512x128xf32, #tpu.memory_space<hbm>>
      %dma_wait3A_25 = arith.constant 0 : i32
      %dma_wait3A_26 = tpu.memref_slice %arg4[%add3A_4, %dma_wait3A_25] : memref<32768x128xf32, #tpu.memory_space<hbm>> -> memref<512x128xf32, #tpu.memory_space<hbm>>
      tpu.wait_dma2 semaphore(%run_scoped3A : memref<!tpu.dma_semaphore, #tpu.memory_space<semaphore_mem>>) src(%arg6 : memref<512x128xf32, #tpu.memory_space<vmem>>) dst(%dma_wait3A_26 : memref<512x128xf32, #tpu.memory_space<hbm>>)
      tpu.yield
    }) : () -> ()
    %mul3A_9 = arith.constant 1024 : i32
    %mul3A_10 = arith.muli %add3A, %mul3A_9 : i32
    %add3A_11 = arith.constant 512 : i32
    %add3A_12 = arith.addi %mul3A_10, %add3A_11 : i32
    "tpu.region"() ({
      %run_scoped3A = tpu.sem_alloc : memref<!tpu.dma_semaphore, #tpu.memory_space<semaphore_mem>>
      %dma_start3A_19 = tpu.memref_slice %arg3[%add3A_12] : memref<32768xi32, #tpu.memory_space<hbm>> -> memref<512xi32, #tpu.memory_space<hbm>>
      %dma_start3A_20 = tpu.memref_slice %arg3[%add3A_12] : memref<32768xi32, #tpu.memory_space<hbm>> -> memref<512xi32, #tpu.memory_space<hbm>>
      tpu.enqueue_dma source(%dma_start3A_20 : memref<512xi32, #tpu.memory_space<hbm>>) target(%arg5 : memref<512xi32, #tpu.memory_space<vmem>>) target_semaphore(%run_scoped3A : memref<!tpu.dma_semaphore, #tpu.memory_space<semaphore_mem>>)
      %dma_wait3A_21 = tpu.memref_slice %arg3[%add3A_12] : memref<32768xi32, #tpu.memory_space<hbm>> -> memref<512xi32, #tpu.memory_space<hbm>>
      %dma_wait3A_22 = tpu.memref_slice %arg3[%add3A_12] : memref<32768xi32, #tpu.memory_space<hbm>> -> memref<512xi32, #tpu.memory_space<hbm>>
      tpu.wait_dma2 semaphore(%run_scoped3A : memref<!tpu.dma_semaphore, #tpu.memory_space<semaphore_mem>>) src(%dma_wait3A_22 : memref<512xi32, #tpu.memory_space<hbm>>) dst(%arg5 : memref<512xi32, #tpu.memory_space<vmem>>)
      tpu.yield
    }) : () -> ()
    %dma_start3A_13 = arith.constant 0 : i32
    %dma_start3A_14 = arith.constant 0 : i32
    %dma_start3A_15 = tpu.memref_slice %arg2[%dma_start3A_13, %dma_start3A_14] : memref<2048x128xf32, #tpu.memory_space<hbm>> -> memref<2048x128xf32, #tpu.memory_space<hbm>>
    tpu.enqueue_indirect_dma source(%dma_start3A_15 : memref<2048x128xf32, #tpu.memory_space<hbm>>) target(%arg6 : memref<512x128xf32, #tpu.memory_space<vmem>>) offsets(%arg5 : memref<512xi32, #tpu.memory_space<vmem>>) semaphore(%arg7 : memref<!tpu.dma_semaphore, #tpu.memory_space<semaphore_mem>>)
    %dma_wait3A_16 = arith.constant 0 : i32
    %dma_wait3A_17 = arith.constant 0 : i32
    %dma_wait3A_18 = tpu.memref_slice %arg2[%dma_wait3A_16, %dma_wait3A_17] : memref<2048x128xf32, #tpu.memory_space<hbm>> -> memref<2048x128xf32, #tpu.memory_space<hbm>>
    tpu.wait_indirect_dma semaphore(%arg7 : memref<!tpu.dma_semaphore, #tpu.memory_space<semaphore_mem>>) src(%dma_wait3A_18 : memref<2048x128xf32, #tpu.memory_space<hbm>>) dst(%arg6 : memref<512x128xf32, #tpu.memory_space<vmem>>)
    "tpu.region"() ({
      %run_scoped3A = tpu.sem_alloc : memref<!tpu.dma_semaphore, #tpu.memory_space<semaphore_mem>>
      %dma_start3A_19 = arith.constant 0 : i32
      %dma_start3A_20 = tpu.memref_slice %arg4[%add3A_12, %dma_start3A_19] : memref<32768x128xf32, #tpu.memory_space<hbm>> -> memref<512x128xf32, #tpu.memory_space<hbm>>
      %dma_start3A_21 = arith.constant 0 : i32
      %dma_start3A_22 = tpu.memref_slice %arg4[%add3A_12, %dma_start3A_21] : memref<32768x128xf32, #tpu.memory_space<hbm>> -> memref<512x128xf32, #tpu.memory_space<hbm>>
      tpu.enqueue_dma source(%arg6 : memref<512x128xf32, #tpu.memory_space<vmem>>) target(%dma_start3A_22 : memref<512x128xf32, #tpu.memory_space<hbm>>) target_semaphore(%run_scoped3A : memref<!tpu.dma_semaphore, #tpu.memory_space<semaphore_mem>>)
      %dma_wait3A_23 = arith.constant 0 : i32
      %dma_wait3A_24 = tpu.memref_slice %arg4[%add3A_12, %dma_wait3A_23] : memref<32768x128xf32, #tpu.memory_space<hbm>> -> memref<512x128xf32, #tpu.memory_space<hbm>>
      %dma_wait3A_25 = arith.constant 0 : i32
      %dma_wait3A_26 = tpu.memref_slice %arg4[%add3A_12, %dma_wait3A_25] : memref<32768x128xf32, #tpu.memory_space<hbm>> -> memref<512x128xf32, #tpu.memory_space<hbm>>
      tpu.wait_dma2 semaphore(%run_scoped3A : memref<!tpu.dma_semaphore, #tpu.memory_space<semaphore_mem>>) src(%arg6 : memref<512x128xf32, #tpu.memory_space<vmem>>) dst(%dma_wait3A_26 : memref<512x128xf32, #tpu.memory_space<hbm>>)
      tpu.yield
    }) : () -> ()
    return
  }
}

module attributes {stable_mosaic.version = 14 : i64} {
  func.func @_select_kernel(%arg0: i32, %arg1: i32, %arg2: memref<1x2048x3xf32, #tpu.memory_space<vmem>>, %arg3: memref<1x8x2048xf32, #tpu.memory_space<vmem>>, %arg4: memref<3x64xf32, #tpu.memory_space<vmem>>, %arg5: memref<1x16x256xi32, #tpu.memory_space<vmem>>, %arg6: memref<1x2048x64xf32, #tpu.memory_space<vmem>>) attributes {dimension_semantics = [#tpu.dimension_semantics<arbitrary>, #tpu.dimension_semantics<arbitrary>], iteration_bounds = array<i64: 1, 8>, scalar_prefetch = 0 : i64, scratch_operands = 0 : i64, tpu.core_type = #tpu.core_type<tc>, window_params = [{pipeline_mode = #tpu.pipeline_mode<synchronous>, transform_indices = @transform_0, window_bounds = array<i64: 1, 2048, 3>}, {pipeline_mode = #tpu.pipeline_mode<synchronous>, transform_indices = @transform_1, window_bounds = array<i64: 1, 8, 2048>}, {pipeline_mode = #tpu.pipeline_mode<synchronous>, transform_indices = @transform_2, window_bounds = array<i64: 3, 64>}, {transform_indices = @transform_3, window_bounds = array<i64: 1, 16, 256>}, {pipeline_mode = #tpu.pipeline_mode<synchronous>, transform_indices = @transform_4, window_bounds = array<i64: 1, 2048, 64>}]} {
    %get3A = arith.constant 0 : index
    %get3A_0 = arith.constant 0 : index
    %get3A_1 = arith.constant 0 : index
    %get3A_2 = vector.load %arg2[%get3A, %get3A_0, %get3A_1] : memref<1x2048x3xf32, #tpu.memory_space<vmem>>, vector<1x2048x3xf32>
    %get3A_3 = vector.shape_cast %get3A_2 : vector<1x2048x3xf32> to vector<2048x3xf32>
    %eq3A = arith.constant 0 : i32
    %eq3A_4 = arith.cmpi eq, %arg1, %eq3A : i32
    %convert_element_type3A = arith.extui %eq3A_4 : i1 to i32
    %cond3A = arith.constant 0 : i32
    %cond3A_5 = arith.cmpi ne, %convert_element_type3A, %cond3A : i32
    scf.if %cond3A_5 {
      %get3A_354 = arith.constant 0 : index
      %get3A_355 = arith.constant 0 : index
      %get3A_356 = vector.load %arg4[%get3A_354, %get3A_355] : memref<3x64xf32, #tpu.memory_space<vmem>>, vector<3x64xf32>
      %dot_general3A = arith.constant dense<0.000000e+00> : vector<2048x64xf32>
      %dot_general3A_357 = tpu.matmul %get3A_3, %get3A_356, %dot_general3A {dimension_numbers = #tpu.dot_dimension_numbers<[1], [0], [0], [1], [0, 0, 1, 1], [], []>, precision = #tpu.contract_precision<fp32>, transpose_lhs_hint = false} : vector<2048x3xf32>, vector<3x64xf32>, vector<2048x64xf32> -> vector<2048x64xf32>
      %swap3A_358 = arith.constant 0 : index
      %swap3A_359 = arith.constant 0 : index
      %swap3A_360 = arith.constant 0 : index
      %swap3A_361 = vector.load %arg6[%swap3A_358, %swap3A_359, %swap3A_360] : memref<1x2048x64xf32, #tpu.memory_space<vmem>>, vector<1x2048x64xf32>
      %swap3A_362 = vector.shape_cast %swap3A_361 : vector<1x2048x64xf32> to vector<2048x64xf32>
      %swap3A_363 = vector.shape_cast %dot_general3A_357 : vector<2048x64xf32> to vector<1x2048x64xf32>
      tpu.vector_store %arg6[%swap3A_358, %swap3A_359, %swap3A_360], %swap3A_363 {strides = array<i32>} : memref<1x2048x64xf32, #tpu.memory_space<vmem>>, vector<1x2048x64xf32>,
    } else {
    }
    %mul3A = arith.constant 256 : i32
    %mul3A_6 = arith.muli %arg1, %mul3A : i32
    %get3A_7 = arith.constant 0 : index
    %get3A_8 = arith.constant 0 : index
    %get3A_9 = arith.index_cast %mul3A_6 : i32 to index
    %get3A_10 = vector.load %arg3[%get3A_7, %get3A_8, %get3A_9] : memref<1x8x2048xf32, #tpu.memory_space<vmem>>, vector<1x8x256xf32>
    %get3A_11 = vector.shape_cast %get3A_10 : vector<1x8x256xf32> to vector<8x256xf32>
    %slice3A = vector.extract_strided_slice %get3A_3 {offsets = [0, 0], sizes = [2048, 1], strides = [1, 1]} : vector<2048x3xf32> to vector<2048x1xf32>
    %slice3A_12 = vector.extract_strided_slice %get3A_11 {offsets = [0, 0], sizes = [1, 256], strides = [1, 1]} : vector<8x256xf32> to vector<1x256xf32>
    %sub3A = vector.broadcast %slice3A : vector<2048x1xf32> to vector<2048x256xf32>
    %sub3A_13 = vector.broadcast %slice3A_12 : vector<1x256xf32> to vector<2048x256xf32>
    %sub3A_14 = arith.subf %sub3A, %sub3A_13 : vector<2048x256xf32>
    %slice3A_15 = vector.extract_strided_slice %get3A_3 {offsets = [0, 1], sizes = [2048, 1], strides = [1, 1]} : vector<2048x3xf32> to vector<2048x1xf32>
    %slice3A_16 = vector.extract_strided_slice %get3A_11 {offsets = [1, 0], sizes = [1, 256], strides = [1, 1]} : vector<8x256xf32> to vector<1x256xf32>
    %sub3A_17 = vector.broadcast %slice3A_15 : vector<2048x1xf32> to vector<2048x256xf32>
    %sub3A_18 = vector.broadcast %slice3A_16 : vector<1x256xf32> to vector<2048x256xf32>
    %sub3A_19 = arith.subf %sub3A_17, %sub3A_18 : vector<2048x256xf32>
    %slice3A_20 = vector.extract_strided_slice %get3A_3 {offsets = [0, 2], sizes = [2048, 1], strides = [1, 1]} : vector<2048x3xf32> to vector<2048x1xf32>
    %slice3A_21 = vector.extract_strided_slice %get3A_11 {offsets = [2, 0], sizes = [1, 256], strides = [1, 1]} : vector<8x256xf32> to vector<1x256xf32>
    %sub3A_22 = vector.broadcast %slice3A_20 : vector<2048x1xf32> to vector<2048x256xf32>
    %sub3A_23 = vector.broadcast %slice3A_21 : vector<1x256xf32> to vector<2048x256xf32>
    %sub3A_24 = arith.subf %sub3A_22, %sub3A_23 : vector<2048x256xf32>
    %mul3A_25 = arith.mulf %sub3A_14, %sub3A_14 : vector<2048x256xf32>
    %mul3A_26 = arith.mulf %sub3A_19, %sub3A_19 : vector<2048x256xf32>
    %add3A = arith.addf %mul3A_25, %mul3A_26 : vector<2048x256xf32>
    %mul3A_27 = arith.mulf %sub3A_24, %sub3A_24 : vector<2048x256xf32>
    %add3A_28 = arith.addf %add3A, %mul3A_27 : vector<2048x256xf32>
    %iota3A = tpu.iota {dimensions = array<i32: 0>} : vector<2048x256xi32>
    %iota3A_29 = tpu.iota {dimensions = array<i32: 1>} : vector<2048x256xi32>
    %mul3A_30 = arith.constant 256 : i32
    %mul3A_31 = arith.muli %arg1, %mul3A_30 : i32
    %add3A_32 = vector.broadcast %mul3A_31 : i32 to vector<2048x256xi32>
    %add3A_33 = arith.addi %iota3A_29, %add3A_32 : vector<2048x256xi32>
    %eq3A_34 = arith.cmpi eq, %iota3A, %add3A_33 : vector<2048x256xi32>
    %jit3A = arith.constant 0x7F800000 : f32
    %broadcast_in_dim3A = vector.broadcast %jit3A : f32 to vector<2048x256xf32>
    %select_n3A = arith.select %eq3A_34, %broadcast_in_dim3A, %add3A_28 : vector<2048x256xi1>, vector<2048x256xf32>
    %reduce_min3A = arith.constant dense<0x7F800000> : vector<256xf32>
    %reduce_min3A_35 = vector.multi_reduction <minimumf>, %select_n3A, %reduce_min3A [0] : vector<2048x256xf32> to vector<256xf32>
    %broadcast_in_dim3A_36 = vector.shape_cast %reduce_min3A_35 : vector<256xf32> to vector<1x256xf32>
    %eq3A_37 = vector.broadcast %broadcast_in_dim3A_36 : vector<1x256xf32> to vector<2048x256xf32>
    %eq3A_38 = arith.cmpf oeq, %select_n3A, %eq3A_37 : vector<2048x256xf32>
    %jit3A_39 = arith.constant 2048 : i32
    %broadcast_in_dim3A_40 = vector.broadcast %jit3A_39 : i32 to vector<2048x256xi32>
    %select_n3A_41 = arith.select %eq3A_38, %iota3A, %broadcast_in_dim3A_40 : vector<2048x256xi1>, vector<2048x256xi32>
    %reduce_min3A_42 = arith.constant dense<2147483647> : vector<256xi32>
    %reduce_min3A_43 = vector.multi_reduction <minsi>, %select_n3A_41, %reduce_min3A_42 [0] : vector<2048x256xi32> to vector<256xi32>
    %broadcast_in_dim3A_44 = vector.shape_cast %reduce_min3A_43 : vector<256xi32> to vector<1x256xi32>
    %eq3A_45 = vector.broadcast %broadcast_in_dim3A_44 : vector<1x256xi32> to vector<2048x256xi32>
    %eq3A_46 = arith.cmpi eq, %iota3A, %eq3A_45 : vector<2048x256xi32>
    %jit3A_47 = arith.constant 0x7F800000 : f32
    %broadcast_in_dim3A_48 = vector.broadcast %jit3A_47 : f32 to vector<2048x256xf32>
    %select_n3A_49 = arith.select %eq3A_46, %broadcast_in_dim3A_48, %select_n3A : vector<2048x256xi1>, vector<2048x256xf32>
    %mul3A_50 = arith.constant 2048 : i32
    %mul3A_51 = arith.muli %arg0, %mul3A_50 : i32
    %add3A_52 = vector.broadcast %mul3A_51 : i32 to vector<1x256xi32>
    %add3A_53 = arith.addi %broadcast_in_dim3A_44, %add3A_52 : vector<1x256xi32>
    %reduce_min3A_54 = arith.constant dense<0x7F800000> : vector<256xf32>
    %reduce_min3A_55 = vector.multi_reduction <minimumf>, %select_n3A_49, %reduce_min3A_54 [0] : vector<2048x256xf32> to vector<256xf32>
    %broadcast_in_dim3A_56 = vector.shape_cast %reduce_min3A_55 : vector<256xf32> to vector<1x256xf32>
    %eq3A_57 = vector.broadcast %broadcast_in_dim3A_56 : vector<1x256xf32> to vector<2048x256xf32>
    %eq3A_58 = arith.cmpf oeq, %select_n3A_49, %eq3A_57 : vector<2048x256xf32>
    %jit3A_59 = arith.constant 2048 : i32
    %broadcast_in_dim3A_60 = vector.broadcast %jit3A_59 : i32 to vector<2048x256xi32>
    %select_n3A_61 = arith.select %eq3A_58, %iota3A, %broadcast_in_dim3A_60 : vector<2048x256xi1>, vector<2048x256xi32>
    %reduce_min3A_62 = arith.constant dense<2147483647> : vector<256xi32>
    %reduce_min3A_63 = vector.multi_reduction <minsi>, %select_n3A_61, %reduce_min3A_62 [0] : vector<2048x256xi32> to vector<256xi32>
    %broadcast_in_dim3A_64 = vector.shape_cast %reduce_min3A_63 : vector<256xi32> to vector<1x256xi32>
    %eq3A_65 = vector.broadcast %broadcast_in_dim3A_64 : vector<1x256xi32> to vector<2048x256xi32>
    %eq3A_66 = arith.cmpi eq, %iota3A, %eq3A_65 : vector<2048x256xi32>
    %jit3A_67 = arith.constant 0x7F800000 : f32
    %broadcast_in_dim3A_68 = vector.broadcast %jit3A_67 : f32 to vector<2048x256xf32>
    %select_n3A_69 = arith.select %eq3A_66, %broadcast_in_dim3A_68, %select_n3A_49 : vector<2048x256xi1>, vector<2048x256xf32>
    %mul3A_70 = arith.constant 2048 : i32
    %mul3A_71 = arith.muli %arg0, %mul3A_70 : i32
    %add3A_72 = vector.broadcast %mul3A_71 : i32 to vector<1x256xi32>
    %add3A_73 = arith.addi %broadcast_in_dim3A_64, %add3A_72 : vector<1x256xi32>
    %reduce_min3A_74 = arith.constant dense<0x7F800000> : vector<256xf32>
    %reduce_min3A_75 = vector.multi_reduction <minimumf>, %select_n3A_69, %reduce_min3A_74 [0] : vector<2048x256xf32> to vector<256xf32>
    %broadcast_in_dim3A_76 = vector.shape_cast %reduce_min3A_75 : vector<256xf32> to vector<1x256xf32>
    %eq3A_77 = vector.broadcast %broadcast_in_dim3A_76 : vector<1x256xf32> to vector<2048x256xf32>
    %eq3A_78 = arith.cmpf oeq, %select_n3A_69, %eq3A_77 : vector<2048x256xf32>
    %jit3A_79 = arith.constant 2048 : i32
    %broadcast_in_dim3A_80 = vector.broadcast %jit3A_79 : i32 to vector<2048x256xi32>
    %select_n3A_81 = arith.select %eq3A_78, %iota3A, %broadcast_in_dim3A_80 : vector<2048x256xi1>, vector<2048x256xi32>
    %reduce_min3A_82 = arith.constant dense<2147483647> : vector<256xi32>
    %reduce_min3A_83 = vector.multi_reduction <minsi>, %select_n3A_81, %reduce_min3A_82 [0] : vector<2048x256xi32> to vector<256xi32>
    %broadcast_in_dim3A_84 = vector.shape_cast %reduce_min3A_83 : vector<256xi32> to vector<1x256xi32>
    %eq3A_85 = vector.broadcast %broadcast_in_dim3A_84 : vector<1x256xi32> to vector<2048x256xi32>
    %eq3A_86 = arith.cmpi eq, %iota3A, %eq3A_85 : vector<2048x256xi32>
    %jit3A_87 = arith.constant 0x7F800000 : f32
    %broadcast_in_dim3A_88 = vector.broadcast %jit3A_87 : f32 to vector<2048x256xf32>
    %select_n3A_89 = arith.select %eq3A_86, %broadcast_in_dim3A_88, %select_n3A_69 : vector<2048x256xi1>, vector<2048x256xf32>
    %mul3A_90 = arith.constant 2048 : i32
    %mul3A_91 = arith.muli %arg0, %mul3A_90 : i32
    %add3A_92 = vector.broadcast %mul3A_91 : i32 to vector<1x256xi32>
    %add3A_93 = arith.addi %broadcast_in_dim3A_84, %add3A_92 : vector<1x256xi32>
    %reduce_min3A_94 = arith.constant dense<0x7F800000> : vector<256xf32>
    %reduce_min3A_95 = vector.multi_reduction <minimumf>, %select_n3A_89, %reduce_min3A_94 [0] : vector<2048x256xf32> to vector<256xf32>
    %broadcast_in_dim3A_96 = vector.shape_cast %reduce_min3A_95 : vector<256xf32> to vector<1x256xf32>
    %eq3A_97 = vector.broadcast %broadcast_in_dim3A_96 : vector<1x256xf32> to vector<2048x256xf32>
    %eq3A_98 = arith.cmpf oeq, %select_n3A_89, %eq3A_97 : vector<2048x256xf32>
    %jit3A_99 = arith.constant 2048 : i32
    %broadcast_in_dim3A_100 = vector.broadcast %jit3A_99 : i32 to vector<2048x256xi32>
    %select_n3A_101 = arith.select %eq3A_98, %iota3A, %broadcast_in_dim3A_100 : vector<2048x256xi1>, vector<2048x256xi32>
    %reduce_min3A_102 = arith.constant dense<2147483647> : vector<256xi32>
    %reduce_min3A_103 = vector.multi_reduction <minsi>, %select_n3A_101, %reduce_min3A_102 [0] : vector<2048x256xi32> to vector<256xi32>
    %broadcast_in_dim3A_104 = vector.shape_cast %reduce_min3A_103 : vector<256xi32> to vector<1x256xi32>
    %eq3A_105 = vector.broadcast %broadcast_in_dim3A_104 : vector<1x256xi32> to vector<2048x256xi32>
    %eq3A_106 = arith.cmpi eq, %iota3A, %eq3A_105 : vector<2048x256xi32>
    %jit3A_107 = arith.constant 0x7F800000 : f32
    %broadcast_in_dim3A_108 = vector.broadcast %jit3A_107 : f32 to vector<2048x256xf32>
    %select_n3A_109 = arith.select %eq3A_106, %broadcast_in_dim3A_108, %select_n3A_89 : vector<2048x256xi1>, vector<2048x256xf32>
    %mul3A_110 = arith.constant 2048 : i32
    %mul3A_111 = arith.muli %arg0, %mul3A_110 : i32
    %add3A_112 = vector.broadcast %mul3A_111 : i32 to vector<1x256xi32>
    %add3A_113 = arith.addi %broadcast_in_dim3A_104, %add3A_112 : vector<1x256xi32>
    %reduce_min3A_114 = arith.constant dense<0x7F800000> : vector<256xf32>
    %reduce_min3A_115 = vector.multi_reduction <minimumf>, %select_n3A_109, %reduce_min3A_114 [0] : vector<2048x256xf32> to vector<256xf32>
    %broadcast_in_dim3A_116 = vector.shape_cast %reduce_min3A_115 : vector<256xf32> to vector<1x256xf32>
    %eq3A_117 = vector.broadcast %broadcast_in_dim3A_116 : vector<1x256xf32> to vector<2048x256xf32>
    %eq3A_118 = arith.cmpf oeq, %select_n3A_109, %eq3A_117 : vector<2048x256xf32>
    %jit3A_119 = arith.constant 2048 : i32
    %broadcast_in_dim3A_120 = vector.broadcast %jit3A_119 : i32 to vector<2048x256xi32>
    %select_n3A_121 = arith.select %eq3A_118, %iota3A, %broadcast_in_dim3A_120 : vector<2048x256xi1>, vector<2048x256xi32>
    %reduce_min3A_122 = arith.constant dense<2147483647> : vector<256xi32>
    %reduce_min3A_123 = vector.multi_reduction <minsi>, %select_n3A_121, %reduce_min3A_122 [0] : vector<2048x256xi32> to vector<256xi32>
    %broadcast_in_dim3A_124 = vector.shape_cast %reduce_min3A_123 : vector<256xi32> to vector<1x256xi32>
    %eq3A_125 = vector.broadcast %broadcast_in_dim3A_124 : vector<1x256xi32> to vector<2048x256xi32>
    %eq3A_126 = arith.cmpi eq, %iota3A, %eq3A_125 : vector<2048x256xi32>
    %jit3A_127 = arith.constant 0x7F800000 : f32
    %broadcast_in_dim3A_128 = vector.broadcast %jit3A_127 : f32 to vector<2048x256xf32>
    %select_n3A_129 = arith.select %eq3A_126, %broadcast_in_dim3A_128, %select_n3A_109 : vector<2048x256xi1>, vector<2048x256xf32>
    %mul3A_130 = arith.constant 2048 : i32
    %mul3A_131 = arith.muli %arg0, %mul3A_130 : i32
    %add3A_132 = vector.broadcast %mul3A_131 : i32 to vector<1x256xi32>
    %add3A_133 = arith.addi %broadcast_in_dim3A_124, %add3A_132 : vector<1x256xi32>
    %reduce_min3A_134 = arith.constant dense<0x7F800000> : vector<256xf32>
    %reduce_min3A_135 = vector.multi_reduction <minimumf>, %select_n3A_129, %reduce_min3A_134 [0] : vector<2048x256xf32> to vector<256xf32>
    %broadcast_in_dim3A_136 = vector.shape_cast %reduce_min3A_135 : vector<256xf32> to vector<1x256xf32>
    %eq3A_137 = vector.broadcast %broadcast_in_dim3A_136 : vector<1x256xf32> to vector<2048x256xf32>
    %eq3A_138 = arith.cmpf oeq, %select_n3A_129, %eq3A_137 : vector<2048x256xf32>
    %jit3A_139 = arith.constant 2048 : i32
    %broadcast_in_dim3A_140 = vector.broadcast %jit3A_139 : i32 to vector<2048x256xi32>
    %select_n3A_141 = arith.select %eq3A_138, %iota3A, %broadcast_in_dim3A_140 : vector<2048x256xi1>, vector<2048x256xi32>
    %reduce_min3A_142 = arith.constant dense<2147483647> : vector<256xi32>
    %reduce_min3A_143 = vector.multi_reduction <minsi>, %select_n3A_141, %reduce_min3A_142 [0] : vector<2048x256xi32> to vector<256xi32>
    %broadcast_in_dim3A_144 = vector.shape_cast %reduce_min3A_143 : vector<256xi32> to vector<1x256xi32>
    %eq3A_145 = vector.broadcast %broadcast_in_dim3A_144 : vector<1x256xi32> to vector<2048x256xi32>
    %eq3A_146 = arith.cmpi eq, %iota3A, %eq3A_145 : vector<2048x256xi32>
    %jit3A_147 = arith.constant 0x7F800000 : f32
    %broadcast_in_dim3A_148 = vector.broadcast %jit3A_147 : f32 to vector<2048x256xf32>
    %select_n3A_149 = arith.select %eq3A_146, %broadcast_in_dim3A_148, %select_n3A_129 : vector<2048x256xi1>, vector<2048x256xf32>
    %mul3A_150 = arith.constant 2048 : i32
    %mul3A_151 = arith.muli %arg0, %mul3A_150 : i32
    %add3A_152 = vector.broadcast %mul3A_151 : i32 to vector<1x256xi32>
    %add3A_153 = arith.addi %broadcast_in_dim3A_144, %add3A_152 : vector<1x256xi32>
    %reduce_min3A_154 = arith.constant dense<0x7F800000> : vector<256xf32>
    %reduce_min3A_155 = vector.multi_reduction <minimumf>, %select_n3A_149, %reduce_min3A_154 [0] : vector<2048x256xf32> to vector<256xf32>
    %broadcast_in_dim3A_156 = vector.shape_cast %reduce_min3A_155 : vector<256xf32> to vector<1x256xf32>
    %eq3A_157 = vector.broadcast %broadcast_in_dim3A_156 : vector<1x256xf32> to vector<2048x256xf32>
    %eq3A_158 = arith.cmpf oeq, %select_n3A_149, %eq3A_157 : vector<2048x256xf32>
    %jit3A_159 = arith.constant 2048 : i32
    %broadcast_in_dim3A_160 = vector.broadcast %jit3A_159 : i32 to vector<2048x256xi32>
    %select_n3A_161 = arith.select %eq3A_158, %iota3A, %broadcast_in_dim3A_160 : vector<2048x256xi1>, vector<2048x256xi32>
    %reduce_min3A_162 = arith.constant dense<2147483647> : vector<256xi32>
    %reduce_min3A_163 = vector.multi_reduction <minsi>, %select_n3A_161, %reduce_min3A_162 [0] : vector<2048x256xi32> to vector<256xi32>
    %broadcast_in_dim3A_164 = vector.shape_cast %reduce_min3A_163 : vector<256xi32> to vector<1x256xi32>
    %eq3A_165 = vector.broadcast %broadcast_in_dim3A_164 : vector<1x256xi32> to vector<2048x256xi32>
    %eq3A_166 = arith.cmpi eq, %iota3A, %eq3A_165 : vector<2048x256xi32>
    %jit3A_167 = arith.constant 0x7F800000 : f32
    %broadcast_in_dim3A_168 = vector.broadcast %jit3A_167 : f32 to vector<2048x256xf32>
    %select_n3A_169 = arith.select %eq3A_166, %broadcast_in_dim3A_168, %select_n3A_149 : vector<2048x256xi1>, vector<2048x256xf32>
    %mul3A_170 = arith.constant 2048 : i32
    %mul3A_171 = arith.muli %arg0, %mul3A_170 : i32
    %add3A_172 = vector.broadcast %mul3A_171 : i32 to vector<1x256xi32>
    %add3A_173 = arith.addi %broadcast_in_dim3A_164, %add3A_172 : vector<1x256xi32>
    %reduce_min3A_174 = arith.constant dense<0x7F800000> : vector<256xf32>
    %reduce_min3A_175 = vector.multi_reduction <minimumf>, %select_n3A_169, %reduce_min3A_174 [0] : vector<2048x256xf32> to vector<256xf32>
    %broadcast_in_dim3A_176 = vector.shape_cast %reduce_min3A_175 : vector<256xf32> to vector<1x256xf32>
    %eq3A_177 = vector.broadcast %broadcast_in_dim3A_176 : vector<1x256xf32> to vector<2048x256xf32>
    %eq3A_178 = arith.cmpf oeq, %select_n3A_169, %eq3A_177 : vector<2048x256xf32>
    %jit3A_179 = arith.constant 2048 : i32
    %broadcast_in_dim3A_180 = vector.broadcast %jit3A_179 : i32 to vector<2048x256xi32>
    %select_n3A_181 = arith.select %eq3A_178, %iota3A, %broadcast_in_dim3A_180 : vector<2048x256xi1>, vector<2048x256xi32>
    %reduce_min3A_182 = arith.constant dense<2147483647> : vector<256xi32>
    %reduce_min3A_183 = vector.multi_reduction <minsi>, %select_n3A_181, %reduce_min3A_182 [0] : vector<2048x256xi32> to vector<256xi32>
    %broadcast_in_dim3A_184 = vector.shape_cast %reduce_min3A_183 : vector<256xi32> to vector<1x256xi32>
    %eq3A_185 = vector.broadcast %broadcast_in_dim3A_184 : vector<1x256xi32> to vector<2048x256xi32>
    %eq3A_186 = arith.cmpi eq, %iota3A, %eq3A_185 : vector<2048x256xi32>
    %jit3A_187 = arith.constant 0x7F800000 : f32
    %broadcast_in_dim3A_188 = vector.broadcast %jit3A_187 : f32 to vector<2048x256xf32>
    %select_n3A_189 = arith.select %eq3A_186, %broadcast_in_dim3A_188, %select_n3A_169 : vector<2048x256xi1>, vector<2048x256xf32>
    %mul3A_190 = arith.constant 2048 : i32
    %mul3A_191 = arith.muli %arg0, %mul3A_190 : i32
    %add3A_192 = vector.broadcast %mul3A_191 : i32 to vector<1x256xi32>
    %add3A_193 = arith.addi %broadcast_in_dim3A_184, %add3A_192 : vector<1x256xi32>
    %reduce_min3A_194 = arith.constant dense<0x7F800000> : vector<256xf32>
    %reduce_min3A_195 = vector.multi_reduction <minimumf>, %select_n3A_189, %reduce_min3A_194 [0] : vector<2048x256xf32> to vector<256xf32>
    %broadcast_in_dim3A_196 = vector.shape_cast %reduce_min3A_195 : vector<256xf32> to vector<1x256xf32>
    %eq3A_197 = vector.broadcast %broadcast_in_dim3A_196 : vector<1x256xf32> to vector<2048x256xf32>
    %eq3A_198 = arith.cmpf oeq, %select_n3A_189, %eq3A_197 : vector<2048x256xf32>
    %jit3A_199 = arith.constant 2048 : i32
    %broadcast_in_dim3A_200 = vector.broadcast %jit3A_199 : i32 to vector<2048x256xi32>
    %select_n3A_201 = arith.select %eq3A_198, %iota3A, %broadcast_in_dim3A_200 : vector<2048x256xi1>, vector<2048x256xi32>
    %reduce_min3A_202 = arith.constant dense<2147483647> : vector<256xi32>
    %reduce_min3A_203 = vector.multi_reduction <minsi>, %select_n3A_201, %reduce_min3A_202 [0] : vector<2048x256xi32> to vector<256xi32>
    %broadcast_in_dim3A_204 = vector.shape_cast %reduce_min3A_203 : vector<256xi32> to vector<1x256xi32>
    %eq3A_205 = vector.broadcast %broadcast_in_dim3A_204 : vector<1x256xi32> to vector<2048x256xi32>
    %eq3A_206 = arith.cmpi eq, %iota3A, %eq3A_205 : vector<2048x256xi32>
    %jit3A_207 = arith.constant 0x7F800000 : f32
    %broadcast_in_dim3A_208 = vector.broadcast %jit3A_207 : f32 to vector<2048x256xf32>
    %select_n3A_209 = arith.select %eq3A_206, %broadcast_in_dim3A_208, %select_n3A_189 : vector<2048x256xi1>, vector<2048x256xf32>
    %mul3A_210 = arith.constant 2048 : i32
    %mul3A_211 = arith.muli %arg0, %mul3A_210 : i32
    %add3A_212 = vector.broadcast %mul3A_211 : i32 to vector<1x256xi32>
    %add3A_213 = arith.addi %broadcast_in_dim3A_204, %add3A_212 : vector<1x256xi32>
    %reduce_min3A_214 = arith.constant dense<0x7F800000> : vector<256xf32>
    %reduce_min3A_215 = vector.multi_reduction <minimumf>, %select_n3A_209, %reduce_min3A_214 [0] : vector<2048x256xf32> to vector<256xf32>
    %broadcast_in_dim3A_216 = vector.shape_cast %reduce_min3A_215 : vector<256xf32> to vector<1x256xf32>
    %eq3A_217 = vector.broadcast %broadcast_in_dim3A_216 : vector<1x256xf32> to vector<2048x256xf32>
    %eq3A_218 = arith.cmpf oeq, %select_n3A_209, %eq3A_217 : vector<2048x256xf32>
    %jit3A_219 = arith.constant 2048 : i32
    %broadcast_in_dim3A_220 = vector.broadcast %jit3A_219 : i32 to vector<2048x256xi32>
    %select_n3A_221 = arith.select %eq3A_218, %iota3A, %broadcast_in_dim3A_220 : vector<2048x256xi1>, vector<2048x256xi32>
    %reduce_min3A_222 = arith.constant dense<2147483647> : vector<256xi32>
    %reduce_min3A_223 = vector.multi_reduction <minsi>, %select_n3A_221, %reduce_min3A_222 [0] : vector<2048x256xi32> to vector<256xi32>
    %broadcast_in_dim3A_224 = vector.shape_cast %reduce_min3A_223 : vector<256xi32> to vector<1x256xi32>
    %eq3A_225 = vector.broadcast %broadcast_in_dim3A_224 : vector<1x256xi32> to vector<2048x256xi32>
    %eq3A_226 = arith.cmpi eq, %iota3A, %eq3A_225 : vector<2048x256xi32>
    %jit3A_227 = arith.constant 0x7F800000 : f32
    %broadcast_in_dim3A_228 = vector.broadcast %jit3A_227 : f32 to vector<2048x256xf32>
    %select_n3A_229 = arith.select %eq3A_226, %broadcast_in_dim3A_228, %select_n3A_209 : vector<2048x256xi1>, vector<2048x256xf32>
    %mul3A_230 = arith.constant 2048 : i32
    %mul3A_231 = arith.muli %arg0, %mul3A_230 : i32
    %add3A_232 = vector.broadcast %mul3A_231 : i32 to vector<1x256xi32>
    %add3A_233 = arith.addi %broadcast_in_dim3A_224, %add3A_232 : vector<1x256xi32>
    %reduce_min3A_234 = arith.constant dense<0x7F800000> : vector<256xf32>
    %reduce_min3A_235 = vector.multi_reduction <minimumf>, %select_n3A_229, %reduce_min3A_234 [0] : vector<2048x256xf32> to vector<256xf32>
    %broadcast_in_dim3A_236 = vector.shape_cast %reduce_min3A_235 : vector<256xf32> to vector<1x256xf32>
    %eq3A_237 = vector.broadcast %broadcast_in_dim3A_236 : vector<1x256xf32> to vector<2048x256xf32>
    %eq3A_238 = arith.cmpf oeq, %select_n3A_229, %eq3A_237 : vector<2048x256xf32>
    %jit3A_239 = arith.constant 2048 : i32
    %broadcast_in_dim3A_240 = vector.broadcast %jit3A_239 : i32 to vector<2048x256xi32>
    %select_n3A_241 = arith.select %eq3A_238, %iota3A, %broadcast_in_dim3A_240 : vector<2048x256xi1>, vector<2048x256xi32>
    %reduce_min3A_242 = arith.constant dense<2147483647> : vector<256xi32>
    %reduce_min3A_243 = vector.multi_reduction <minsi>, %select_n3A_241, %reduce_min3A_242 [0] : vector<2048x256xi32> to vector<256xi32>
    %broadcast_in_dim3A_244 = vector.shape_cast %reduce_min3A_243 : vector<256xi32> to vector<1x256xi32>
    %eq3A_245 = vector.broadcast %broadcast_in_dim3A_244 : vector<1x256xi32> to vector<2048x256xi32>
    %eq3A_246 = arith.cmpi eq, %iota3A, %eq3A_245 : vector<2048x256xi32>
    %jit3A_247 = arith.constant 0x7F800000 : f32
    %broadcast_in_dim3A_248 = vector.broadcast %jit3A_247 : f32 to vector<2048x256xf32>
    %select_n3A_249 = arith.select %eq3A_246, %broadcast_in_dim3A_248, %select_n3A_229 : vector<2048x256xi1>, vector<2048x256xf32>
    %mul3A_250 = arith.constant 2048 : i32
    %mul3A_251 = arith.muli %arg0, %mul3A_250 : i32
    %add3A_252 = vector.broadcast %mul3A_251 : i32 to vector<1x256xi32>
    %add3A_253 = arith.addi %broadcast_in_dim3A_244, %add3A_252 : vector<1x256xi32>
    %reduce_min3A_254 = arith.constant dense<0x7F800000> : vector<256xf32>
    %reduce_min3A_255 = vector.multi_reduction <minimumf>, %select_n3A_249, %reduce_min3A_254 [0] : vector<2048x256xf32> to vector<256xf32>
    %broadcast_in_dim3A_256 = vector.shape_cast %reduce_min3A_255 : vector<256xf32> to vector<1x256xf32>
    %eq3A_257 = vector.broadcast %broadcast_in_dim3A_256 : vector<1x256xf32> to vector<2048x256xf32>
    %eq3A_258 = arith.cmpf oeq, %select_n3A_249, %eq3A_257 : vector<2048x256xf32>
    %jit3A_259 = arith.constant 2048 : i32
    %broadcast_in_dim3A_260 = vector.broadcast %jit3A_259 : i32 to vector<2048x256xi32>
    %select_n3A_261 = arith.select %eq3A_258, %iota3A, %broadcast_in_dim3A_260 : vector<2048x256xi1>, vector<2048x256xi32>
    %reduce_min3A_262 = arith.constant dense<2147483647> : vector<256xi32>
    %reduce_min3A_263 = vector.multi_reduction <minsi>, %select_n3A_261, %reduce_min3A_262 [0] : vector<2048x256xi32> to vector<256xi32>
    %broadcast_in_dim3A_264 = vector.shape_cast %reduce_min3A_263 : vector<256xi32> to vector<1x256xi32>
    %eq3A_265 = vector.broadcast %broadcast_in_dim3A_264 : vector<1x256xi32> to vector<2048x256xi32>
    %eq3A_266 = arith.cmpi eq, %iota3A, %eq3A_265 : vector<2048x256xi32>
    %jit3A_267 = arith.constant 0x7F800000 : f32
    %broadcast_in_dim3A_268 = vector.broadcast %jit3A_267 : f32 to vector<2048x256xf32>
    %select_n3A_269 = arith.select %eq3A_266, %broadcast_in_dim3A_268, %select_n3A_249 : vector<2048x256xi1>, vector<2048x256xf32>
    %mul3A_270 = arith.constant 2048 : i32
    %mul3A_271 = arith.muli %arg0, %mul3A_270 : i32
    %add3A_272 = vector.broadcast %mul3A_271 : i32 to vector<1x256xi32>
    %add3A_273 = arith.addi %broadcast_in_dim3A_264, %add3A_272 : vector<1x256xi32>
    %reduce_min3A_274 = arith.constant dense<0x7F800000> : vector<256xf32>
    %reduce_min3A_275 = vector.multi_reduction <minimumf>, %select_n3A_269, %reduce_min3A_274 [0] : vector<2048x256xf32> to vector<256xf32>
    %broadcast_in_dim3A_276 = vector.shape_cast %reduce_min3A_275 : vector<256xf32> to vector<1x256xf32>
    %eq3A_277 = vector.broadcast %broadcast_in_dim3A_276 : vector<1x256xf32> to vector<2048x256xf32>
    %eq3A_278 = arith.cmpf oeq, %select_n3A_269, %eq3A_277 : vector<2048x256xf32>
    %jit3A_279 = arith.constant 2048 : i32
    %broadcast_in_dim3A_280 = vector.broadcast %jit3A_279 : i32 to vector<2048x256xi32>
    %select_n3A_281 = arith.select %eq3A_278, %iota3A, %broadcast_in_dim3A_280 : vector<2048x256xi1>, vector<2048x256xi32>
    %reduce_min3A_282 = arith.constant dense<2147483647> : vector<256xi32>
    %reduce_min3A_283 = vector.multi_reduction <minsi>, %select_n3A_281, %reduce_min3A_282 [0] : vector<2048x256xi32> to vector<256xi32>
    %broadcast_in_dim3A_284 = vector.shape_cast %reduce_min3A_283 : vector<256xi32> to vector<1x256xi32>
    %eq3A_285 = vector.broadcast %broadcast_in_dim3A_284 : vector<1x256xi32> to vector<2048x256xi32>
    %eq3A_286 = arith.cmpi eq, %iota3A, %eq3A_285 : vector<2048x256xi32>
    %jit3A_287 = arith.constant 0x7F800000 : f32
    %broadcast_in_dim3A_288 = vector.broadcast %jit3A_287 : f32 to vector<2048x256xf32>
    %select_n3A_289 = arith.select %eq3A_286, %broadcast_in_dim3A_288, %select_n3A_269 : vector<2048x256xi1>, vector<2048x256xf32>
    %mul3A_290 = arith.constant 2048 : i32
    %mul3A_291 = arith.muli %arg0, %mul3A_290 : i32
    %add3A_292 = vector.broadcast %mul3A_291 : i32 to vector<1x256xi32>
    %add3A_293 = arith.addi %broadcast_in_dim3A_284, %add3A_292 : vector<1x256xi32>
    %reduce_min3A_294 = arith.constant dense<0x7F800000> : vector<256xf32>
    %reduce_min3A_295 = vector.multi_reduction <minimumf>, %select_n3A_289, %reduce_min3A_294 [0] : vector<2048x256xf32> to vector<256xf32>
    %broadcast_in_dim3A_296 = vector.shape_cast %reduce_min3A_295 : vector<256xf32> to vector<1x256xf32>
    %eq3A_297 = vector.broadcast %broadcast_in_dim3A_296 : vector<1x256xf32> to vector<2048x256xf32>
    %eq3A_298 = arith.cmpf oeq, %select_n3A_289, %eq3A_297 : vector<2048x256xf32>
    %jit3A_299 = arith.constant 2048 : i32
    %broadcast_in_dim3A_300 = vector.broadcast %jit3A_299 : i32 to vector<2048x256xi32>
    %select_n3A_301 = arith.select %eq3A_298, %iota3A, %broadcast_in_dim3A_300 : vector<2048x256xi1>, vector<2048x256xi32>
    %reduce_min3A_302 = arith.constant dense<2147483647> : vector<256xi32>
    %reduce_min3A_303 = vector.multi_reduction <minsi>, %select_n3A_301, %reduce_min3A_302 [0] : vector<2048x256xi32> to vector<256xi32>
    %broadcast_in_dim3A_304 = vector.shape_cast %reduce_min3A_303 : vector<256xi32> to vector<1x256xi32>
    %eq3A_305 = vector.broadcast %broadcast_in_dim3A_304 : vector<1x256xi32> to vector<2048x256xi32>
    %eq3A_306 = arith.cmpi eq, %iota3A, %eq3A_305 : vector<2048x256xi32>
    %jit3A_307 = arith.constant 0x7F800000 : f32
    %broadcast_in_dim3A_308 = vector.broadcast %jit3A_307 : f32 to vector<2048x256xf32>
    %select_n3A_309 = arith.select %eq3A_306, %broadcast_in_dim3A_308, %select_n3A_289 : vector<2048x256xi1>, vector<2048x256xf32>
    %mul3A_310 = arith.constant 2048 : i32
    %mul3A_311 = arith.muli %arg0, %mul3A_310 : i32
    %add3A_312 = vector.broadcast %mul3A_311 : i32 to vector<1x256xi32>
    %add3A_313 = arith.addi %broadcast_in_dim3A_304, %add3A_312 : vector<1x256xi32>
    %reduce_min3A_314 = arith.constant dense<0x7F800000> : vector<256xf32>
    %reduce_min3A_315 = vector.multi_reduction <minimumf>, %select_n3A_309, %reduce_min3A_314 [0] : vector<2048x256xf32> to vector<256xf32>
    %broadcast_in_dim3A_316 = vector.shape_cast %reduce_min3A_315 : vector<256xf32> to vector<1x256xf32>
    %eq3A_317 = vector.broadcast %broadcast_in_dim3A_316 : vector<1x256xf32> to vector<2048x256xf32>
    %eq3A_318 = arith.cmpf oeq, %select_n3A_309, %eq3A_317 : vector<2048x256xf32>
    %jit3A_319 = arith.constant 2048 : i32
    %broadcast_in_dim3A_320 = vector.broadcast %jit3A_319 : i32 to vector<2048x256xi32>
    %select_n3A_321 = arith.select %eq3A_318, %iota3A, %broadcast_in_dim3A_320 : vector<2048x256xi1>, vector<2048x256xi32>
    %reduce_min3A_322 = arith.constant dense<2147483647> : vector<256xi32>
    %reduce_min3A_323 = vector.multi_reduction <minsi>, %select_n3A_321, %reduce_min3A_322 [0] : vector<2048x256xi32> to vector<256xi32>
    %broadcast_in_dim3A_324 = vector.shape_cast %reduce_min3A_323 : vector<256xi32> to vector<1x256xi32>
    %eq3A_325 = vector.broadcast %broadcast_in_dim3A_324 : vector<1x256xi32> to vector<2048x256xi32>
    %eq3A_326 = arith.cmpi eq, %iota3A, %eq3A_325 : vector<2048x256xi32>
    %jit3A_327 = arith.constant 0x7F800000 : f32
    %broadcast_in_dim3A_328 = vector.broadcast %jit3A_327 : f32 to vector<2048x256xf32>
    %select_n3A_329 = arith.select %eq3A_326, %broadcast_in_dim3A_328, %select_n3A_309 : vector<2048x256xi1>, vector<2048x256xf32>
    %mul3A_330 = arith.constant 2048 : i32
    %mul3A_331 = arith.muli %arg0, %mul3A_330 : i32
    %add3A_332 = vector.broadcast %mul3A_331 : i32 to vector<1x256xi32>
    %add3A_333 = arith.addi %broadcast_in_dim3A_324, %add3A_332 : vector<1x256xi32>
    %reduce_min3A_334 = arith.constant dense<0x7F800000> : vector<256xf32>
    %reduce_min3A_335 = vector.multi_reduction <minimumf>, %select_n3A_329, %reduce_min3A_334 [0] : vector<2048x256xf32> to vector<256xf32>
    %broadcast_in_dim3A_336 = vector.shape_cast %reduce_min3A_335 : vector<256xf32> to vector<1x256xf32>
    %eq3A_337 = vector.broadcast %broadcast_in_dim3A_336 : vector<1x256xf32> to vector<2048x256xf32>
    %eq3A_338 = arith.cmpf oeq, %select_n3A_329, %eq3A_337 : vector<2048x256xf32>
    %jit3A_339 = arith.constant 2048 : i32
    %broadcast_in_dim3A_340 = vector.broadcast %jit3A_339 : i32 to vector<2048x256xi32>
    %select_n3A_341 = arith.select %eq3A_338, %iota3A, %broadcast_in_dim3A_340 : vector<2048x256xi1>, vector<2048x256xi32>
    %reduce_min3A_342 = arith.constant dense<2147483647> : vector<256xi32>
    %reduce_min3A_343 = vector.multi_reduction <minsi>, %select_n3A_341, %reduce_min3A_342 [0] : vector<2048x256xi32> to vector<256xi32>
    %broadcast_in_dim3A_344 = vector.shape_cast %reduce_min3A_343 : vector<256xi32> to vector<1x256xi32>
    %mul3A_345 = arith.constant 2048 : i32
    %mul3A_346 = arith.muli %arg0, %mul3A_345 : i32
    %add3A_347 = vector.broadcast %mul3A_346 : i32 to vector<1x256xi32>
    %add3A_348 = arith.addi %broadcast_in_dim3A_344, %add3A_347 : vector<1x256xi32>
    %concatenate3A = tpu.concatenate %add3A_53, %add3A_73, %add3A_93, %add3A_113, %add3A_133, %add3A_153, %add3A_173, %add3A_193, %add3A_213, %add3A_233, %add3A_253, %add3A_273, %add3A_293, %add3A_313, %add3A_333, %add3A_348 in 0 : vector<1x256xi32>, vector<1x256xi32>, vector<1x256xi32>, vector<1x256xi32>, vector<1x256xi32>, vector<1x256xi32>, vector<1x256xi32>, vector<1x256xi32>, vector<1x256xi32>, vector<1x256xi32>, vector<1x256xi32>, vector<1x256xi32>, vector<1x256xi32>, vector<1x256xi32>, vector<1x256xi32>, vector<1x256xi32> -> vector<16x256xi32>
    %swap3A = arith.constant 0 : index
    %swap3A_349 = arith.constant 0 : index
    %swap3A_350 = arith.constant 0 : index
    %swap3A_351 = vector.load %arg5[%swap3A, %swap3A_349, %swap3A_350] : memref<1x16x256xi32, #tpu.memory_space<vmem>>, vector<1x16x256xi32>
    %swap3A_352 = vector.shape_cast %swap3A_351 : vector<1x16x256xi32> to vector<16x256xi32>
    %swap3A_353 = vector.shape_cast %concatenate3A : vector<16x256xi32> to vector<1x16x256xi32>
    tpu.vector_store %arg5[%swap3A, %swap3A_349, %swap3A_350], %swap3A_353 {strides = array<i32>} : memref<1x16x256xi32, #tpu.memory_space<vmem>>, vector<1x16x256xi32>,
    return
  }
  func.func @transform_0(%arg0: i32, %arg1: i32) -> (i32, i32, i32) {
    %c0_i32 = arith.constant 0 : i32
    %c0_i32_0 = arith.constant 0 : i32
    %c0_i32_1 = arith.constant 0 : i32
    %c0_i32_2 = arith.constant 0 : i32
    return %c0_i32, %c0_i32_0, %c0_i32_1 : i32, i32, i32
  }
  func.func @transform_1(%arg0: i32, %arg1: i32) -> (i32, i32, i32) {
    %c0_i32 = arith.constant 0 : i32
    %c0_i32_0 = arith.constant 0 : i32
    %c0_i32_1 = arith.constant 0 : i32
    %c0_i32_2 = arith.constant 0 : i32
    return %c0_i32, %c0_i32_0, %c0_i32_1 : i32, i32, i32
  }
  func.func @transform_2(%arg0: i32, %arg1: i32) -> (i32, i32) {
    %c0_i32 = arith.constant 0 : i32
    %c0_i32_0 = arith.constant 0 : i32
    %c0_i32_1 = arith.constant 0 : i32
    return %c0_i32, %c0_i32_0 : i32, i32
  }
  func.func @transform_3(%arg0: i32, %arg1: i32) -> (i32, i32, i32) {
    %c0_i32 = arith.constant 0 : i32
    %c0_i32_0 = arith.constant 0 : i32
    %c0_i32_1 = arith.constant 0 : i32
    return %c0_i32, %c0_i32_0, %arg1 : i32, i32, i32
  }
  func.func @transform_4(%arg0: i32, %arg1: i32) -> (i32, i32, i32) {
    %c0_i32 = arith.constant 0 : i32
    %c0_i32_0 = arith.constant 0 : i32
    %c0_i32_1 = arith.constant 0 : i32
    %c0_i32_2 = arith.constant 0 : i32
    return %c0_i32, %c0_i32_0, %c0_i32_1 : i32, i32, i32
  }
}

module attributes {stable_mosaic.version = 14 : i64} {
  func.func @_conv_kernel(%arg0: i32, %arg1: i32, %arg2: memref<1x16x256x128xf32, #tpu.memory_space<vmem>>, %arg3: memref<1x256x3xf32, #tpu.memory_space<vmem>>, %arg4: memref<3x64xf32, #tpu.memory_space<vmem>>, %arg5: memref<64x64xf32, #tpu.memory_space<vmem>>, %arg6: memref<1x256x64xf32, #tpu.memory_space<vmem>>) attributes {dimension_semantics = [#tpu.dimension_semantics<arbitrary>, #tpu.dimension_semantics<arbitrary>], iteration_bounds = array<i64: 1, 8>, scalar_prefetch = 0 : i64, scratch_operands = 0 : i64, tpu.core_type = #tpu.core_type<tc>, window_params = [{transform_indices = @transform_0, window_bounds = array<i64: 1, 16, 256, 128>}, {transform_indices = @transform_1, window_bounds = array<i64: 1, 256, 3>}, {pipeline_mode = #tpu.pipeline_mode<synchronous>, transform_indices = @transform_2, window_bounds = array<i64: 3, 64>}, {pipeline_mode = #tpu.pipeline_mode<synchronous>, transform_indices = @transform_3, window_bounds = array<i64: 64, 64>}, {transform_indices = @transform_4, window_bounds = array<i64: 1, 256, 64>}]} {
    %get3A = arith.constant 0 : index
    %get3A_0 = arith.constant 0 : index
    %get3A_1 = arith.constant 0 : index
    %get3A_2 = vector.load %arg3[%get3A, %get3A_0, %get3A_1] : memref<1x256x3xf32, #tpu.memory_space<vmem>>, vector<1x256x3xf32>
    %get3A_3 = vector.shape_cast %get3A_2 : vector<1x256x3xf32> to vector<256x3xf32>
    %get3A_4 = arith.constant 0 : index
    %get3A_5 = arith.constant 0 : index
    %get3A_6 = vector.load %arg4[%get3A_4, %get3A_5] : memref<3x64xf32, #tpu.memory_space<vmem>>, vector<3x64xf32>
    %dot_general3A = arith.constant dense<0.000000e+00> : vector<256x64xf32>
    %dot_general3A_7 = tpu.matmul %get3A_3, %get3A_6, %dot_general3A {dimension_numbers = #tpu.dot_dimension_numbers<[1], [0], [0], [1], [0, 0, 1, 1], [], []>, precision = #tpu.contract_precision<fp32>, transpose_lhs_hint = false} : vector<256x3xf32>, vector<3x64xf32>, vector<256x64xf32> -> vector<256x64xf32>
    %get3A_8 = arith.constant 0 : index
    %get3A_9 = arith.constant 0 : index
    %get3A_10 = vector.load %arg5[%get3A_8, %get3A_9] : memref<64x64xf32, #tpu.memory_space<vmem>>, vector<64x64xf32>
    %convert_element_type3A = arith.truncf %get3A_10 : vector<64x64xf32> to vector<64x64xbf16>
    %convert_element_type3A_11 = arith.extf %convert_element_type3A : vector<64x64xbf16> to vector<64x64xf32>
    %sub3A = arith.subf %get3A_10, %convert_element_type3A_11 : vector<64x64xf32>
    %convert_element_type3A_12 = arith.truncf %sub3A : vector<64x64xf32> to vector<64x64xbf16>
    %broadcast_in_dim3A = arith.constant 0xFF800000 : f32
    %broadcast_in_dim3A_13 = vector.broadcast %broadcast_in_dim3A : f32 to vector<256x64xf32>
    %get3A_14 = arith.constant 0 : index
    %get3A_15 = arith.constant 0 : index
    %get3A_16 = arith.constant 0 : index
    %get3A_17 = arith.constant 0 : index
    %get3A_18 = vector.load %arg2[%get3A_14, %get3A_15, %get3A_16, %get3A_17] : memref<1x16x256x128xf32, #tpu.memory_space<vmem>>, vector<1x1x256x64xf32>
    %get3A_19 = vector.shape_cast %get3A_18 : vector<1x1x256x64xf32> to vector<256x64xf32>
    %sub3A_20 = arith.subf %get3A_19, %dot_general3A_7 : vector<256x64xf32>
    %max3A = arith.constant 0.000000e+00 : f32
    %max3A_21 = vector.broadcast %max3A : f32 to vector<256x64xf32>
    %max3A_22 = arith.maximumf %sub3A_20, %max3A_21 : vector<256x64xf32>
    %convert_element_type3A_23 = arith.truncf %max3A_22 : vector<256x64xf32> to vector<256x64xbf16>
    %convert_element_type3A_24 = arith.extf %convert_element_type3A_23 : vector<256x64xbf16> to vector<256x64xf32>
    %sub3A_25 = arith.subf %max3A_22, %convert_element_type3A_24 : vector<256x64xf32>
    %convert_element_type3A_26 = arith.truncf %sub3A_25 : vector<256x64xf32> to vector<256x64xbf16>
    %dot_general3A_27 = arith.constant dense<0.000000e+00> : vector<256x64xf32>
    %dot_general3A_28 = tpu.matmul %convert_element_type3A_23, %convert_element_type3A, %dot_general3A_27 {dimension_numbers = #tpu.dot_dimension_numbers<[1], [0], [0], [1], [0, 0, 1, 1], [], []>, transpose_lhs_hint = false} : vector<256x64xbf16>, vector<64x64xbf16>, vector<256x64xf32> -> vector<256x64xf32>
    %dot_general3A_29 = arith.constant dense<0.000000e+00> : vector<256x64xf32>
    %dot_general3A_30 = tpu.matmul %convert_element_type3A_23, %convert_element_type3A_12, %dot_general3A_29 {dimension_numbers = #tpu.dot_dimension_numbers<[1], [0], [0], [1], [0, 0, 1, 1], [], []>, transpose_lhs_hint = false} : vector<256x64xbf16>, vector<64x64xbf16>, vector<256x64xf32> -> vector<256x64xf32>
    %dot_general3A_31 = arith.constant dense<0.000000e+00> : vector<256x64xf32>
    %dot_general3A_32 = tpu.matmul %convert_element_type3A_26, %convert_element_type3A, %dot_general3A_31 {dimension_numbers = #tpu.dot_dimension_numbers<[1], [0], [0], [1], [0, 0, 1, 1], [], []>, transpose_lhs_hint = false} : vector<256x64xbf16>, vector<64x64xbf16>, vector<256x64xf32> -> vector<256x64xf32>
    %add3A = arith.addf %dot_general3A_30, %dot_general3A_32 : vector<256x64xf32>
    %add3A_33 = arith.addf %dot_general3A_28, %add3A : vector<256x64xf32>
    %max3A_34 = arith.maximumf %broadcast_in_dim3A_13, %add3A_33 : vector<256x64xf32>
    %get3A_35 = arith.constant 0 : index
    %get3A_36 = arith.constant 1 : index
    %get3A_37 = arith.constant 0 : index
    %get3A_38 = arith.constant 0 : index
    %get3A_39 = vector.load %arg2[%get3A_35, %get3A_36, %get3A_37, %get3A_38] : memref<1x16x256x128xf32, #tpu.memory_space<vmem>>, vector<1x1x256x64xf32>
    %get3A_40 = vector.shape_cast %get3A_39 : vector<1x1x256x64xf32> to vector<256x64xf32>
    %sub3A_41 = arith.subf %get3A_40, %dot_general3A_7 : vector<256x64xf32>
    %max3A_42 = arith.constant 0.000000e+00 : f32
    %max3A_43 = vector.broadcast %max3A_42 : f32 to vector<256x64xf32>
    %max3A_44 = arith.maximumf %sub3A_41, %max3A_43 : vector<256x64xf32>
    %convert_element_type3A_45 = arith.truncf %max3A_44 : vector<256x64xf32> to vector<256x64xbf16>
    %convert_element_type3A_46 = arith.extf %convert_element_type3A_45 : vector<256x64xbf16> to vector<256x64xf32>
    %sub3A_47 = arith.subf %max3A_44, %convert_element_type3A_46 : vector<256x64xf32>
    %convert_element_type3A_48 = arith.truncf %sub3A_47 : vector<256x64xf32> to vector<256x64xbf16>
    %dot_general3A_49 = arith.constant dense<0.000000e+00> : vector<256x64xf32>
    %dot_general3A_50 = tpu.matmul %convert_element_type3A_45, %convert_element_type3A, %dot_general3A_49 {dimension_numbers = #tpu.dot_dimension_numbers<[1], [0], [0], [1], [0, 0, 1, 1], [], []>, transpose_lhs_hint = false} : vector<256x64xbf16>, vector<64x64xbf16>, vector<256x64xf32> -> vector<256x64xf32>
    %dot_general3A_51 = arith.constant dense<0.000000e+00> : vector<256x64xf32>
    %dot_general3A_52 = tpu.matmul %convert_element_type3A_45, %convert_element_type3A_12, %dot_general3A_51 {dimension_numbers = #tpu.dot_dimension_numbers<[1], [0], [0], [1], [0, 0, 1, 1], [], []>, transpose_lhs_hint = false} : vector<256x64xbf16>, vector<64x64xbf16>, vector<256x64xf32> -> vector<256x64xf32>
    %dot_general3A_53 = arith.constant dense<0.000000e+00> : vector<256x64xf32>
    %dot_general3A_54 = tpu.matmul %convert_element_type3A_48, %convert_element_type3A, %dot_general3A_53 {dimension_numbers = #tpu.dot_dimension_numbers<[1], [0], [0], [1], [0, 0, 1, 1], [], []>, transpose_lhs_hint = false} : vector<256x64xbf16>, vector<64x64xbf16>, vector<256x64xf32> -> vector<256x64xf32>
    %add3A_55 = arith.addf %dot_general3A_52, %dot_general3A_54 : vector<256x64xf32>
    %add3A_56 = arith.addf %dot_general3A_50, %add3A_55 : vector<256x64xf32>
    %max3A_57 = arith.maximumf %max3A_34, %add3A_56 : vector<256x64xf32>
    %get3A_58 = arith.constant 0 : index
    %get3A_59 = arith.constant 2 : index
    %get3A_60 = arith.constant 0 : index
    %get3A_61 = arith.constant 0 : index
    %get3A_62 = vector.load %arg2[%get3A_58, %get3A_59, %get3A_60, %get3A_61] : memref<1x16x256x128xf32, #tpu.memory_space<vmem>>, vector<1x1x256x64xf32>
    %get3A_63 = vector.shape_cast %get3A_62 : vector<1x1x256x64xf32> to vector<256x64xf32>
    %sub3A_64 = arith.subf %get3A_63, %dot_general3A_7 : vector<256x64xf32>
    %max3A_65 = arith.constant 0.000000e+00 : f32
    %max3A_66 = vector.broadcast %max3A_65 : f32 to vector<256x64xf32>
    %max3A_67 = arith.maximumf %sub3A_64, %max3A_66 : vector<256x64xf32>
    %convert_element_type3A_68 = arith.truncf %max3A_67 : vector<256x64xf32> to vector<256x64xbf16>
    %convert_element_type3A_69 = arith.extf %convert_element_type3A_68 : vector<256x64xbf16> to vector<256x64xf32>
    %sub3A_70 = arith.subf %max3A_67, %convert_element_type3A_69 : vector<256x64xf32>
    %convert_element_type3A_71 = arith.truncf %sub3A_70 : vector<256x64xf32> to vector<256x64xbf16>
    %dot_general3A_72 = arith.constant dense<0.000000e+00> : vector<256x64xf32>
    %dot_general3A_73 = tpu.matmul %convert_element_type3A_68, %convert_element_type3A, %dot_general3A_72 {dimension_numbers = #tpu.dot_dimension_numbers<[1], [0], [0], [1], [0, 0, 1, 1], [], []>, transpose_lhs_hint = false} : vector<256x64xbf16>, vector<64x64xbf16>, vector<256x64xf32> -> vector<256x64xf32>
    %dot_general3A_74 = arith.constant dense<0.000000e+00> : vector<256x64xf32>
    %dot_general3A_75 = tpu.matmul %convert_element_type3A_68, %convert_element_type3A_12, %dot_general3A_74 {dimension_numbers = #tpu.dot_dimension_numbers<[1], [0], [0], [1], [0, 0, 1, 1], [], []>, transpose_lhs_hint = false} : vector<256x64xbf16>, vector<64x64xbf16>, vector<256x64xf32> -> vector<256x64xf32>
    %dot_general3A_76 = arith.constant dense<0.000000e+00> : vector<256x64xf32>
    %dot_general3A_77 = tpu.matmul %convert_element_type3A_71, %convert_element_type3A, %dot_general3A_76 {dimension_numbers = #tpu.dot_dimension_numbers<[1], [0], [0], [1], [0, 0, 1, 1], [], []>, transpose_lhs_hint = false} : vector<256x64xbf16>, vector<64x64xbf16>, vector<256x64xf32> -> vector<256x64xf32>
    %add3A_78 = arith.addf %dot_general3A_75, %dot_general3A_77 : vector<256x64xf32>
    %add3A_79 = arith.addf %dot_general3A_73, %add3A_78 : vector<256x64xf32>
    %max3A_80 = arith.maximumf %max3A_57, %add3A_79 : vector<256x64xf32>
    %get3A_81 = arith.constant 0 : index
    %get3A_82 = arith.constant 3 : index
    %get3A_83 = arith.constant 0 : index
    %get3A_84 = arith.constant 0 : index
    %get3A_85 = vector.load %arg2[%get3A_81, %get3A_82, %get3A_83, %get3A_84] : memref<1x16x256x128xf32, #tpu.memory_space<vmem>>, vector<1x1x256x64xf32>
    %get3A_86 = vector.shape_cast %get3A_85 : vector<1x1x256x64xf32> to vector<256x64xf32>
    %sub3A_87 = arith.subf %get3A_86, %dot_general3A_7 : vector<256x64xf32>
    %max3A_88 = arith.constant 0.000000e+00 : f32
    %max3A_89 = vector.broadcast %max3A_88 : f32 to vector<256x64xf32>
    %max3A_90 = arith.maximumf %sub3A_87, %max3A_89 : vector<256x64xf32>
    %convert_element_type3A_91 = arith.truncf %max3A_90 : vector<256x64xf32> to vector<256x64xbf16>
    %convert_element_type3A_92 = arith.extf %convert_element_type3A_91 : vector<256x64xbf16> to vector<256x64xf32>
    %sub3A_93 = arith.subf %max3A_90, %convert_element_type3A_92 : vector<256x64xf32>
    %convert_element_type3A_94 = arith.truncf %sub3A_93 : vector<256x64xf32> to vector<256x64xbf16>
    %dot_general3A_95 = arith.constant dense<0.000000e+00> : vector<256x64xf32>
    %dot_general3A_96 = tpu.matmul %convert_element_type3A_91, %convert_element_type3A, %dot_general3A_95 {dimension_numbers = #tpu.dot_dimension_numbers<[1], [0], [0], [1], [0, 0, 1, 1], [], []>, transpose_lhs_hint = false} : vector<256x64xbf16>, vector<64x64xbf16>, vector<256x64xf32> -> vector<256x64xf32>
    %dot_general3A_97 = arith.constant dense<0.000000e+00> : vector<256x64xf32>
    %dot_general3A_98 = tpu.matmul %convert_element_type3A_91, %convert_element_type3A_12, %dot_general3A_97 {dimension_numbers = #tpu.dot_dimension_numbers<[1], [0], [0], [1], [0, 0, 1, 1], [], []>, transpose_lhs_hint = false} : vector<256x64xbf16>, vector<64x64xbf16>, vector<256x64xf32> -> vector<256x64xf32>
    %dot_general3A_99 = arith.constant dense<0.000000e+00> : vector<256x64xf32>
    %dot_general3A_100 = tpu.matmul %convert_element_type3A_94, %convert_element_type3A, %dot_general3A_99 {dimension_numbers = #tpu.dot_dimension_numbers<[1], [0], [0], [1], [0, 0, 1, 1], [], []>, transpose_lhs_hint = false} : vector<256x64xbf16>, vector<64x64xbf16>, vector<256x64xf32> -> vector<256x64xf32>
    %add3A_101 = arith.addf %dot_general3A_98, %dot_general3A_100 : vector<256x64xf32>
    %add3A_102 = arith.addf %dot_general3A_96, %add3A_101 : vector<256x64xf32>
    %max3A_103 = arith.maximumf %max3A_80, %add3A_102 : vector<256x64xf32>
    %get3A_104 = arith.constant 0 : index
    %get3A_105 = arith.constant 4 : index
    %get3A_106 = arith.constant 0 : index
    %get3A_107 = arith.constant 0 : index
    %get3A_108 = vector.load %arg2[%get3A_104, %get3A_105, %get3A_106, %get3A_107] : memref<1x16x256x128xf32, #tpu.memory_space<vmem>>, vector<1x1x256x64xf32>
    %get3A_109 = vector.shape_cast %get3A_108 : vector<1x1x256x64xf32> to vector<256x64xf32>
    %sub3A_110 = arith.subf %get3A_109, %dot_general3A_7 : vector<256x64xf32>
    %max3A_111 = arith.constant 0.000000e+00 : f32
    %max3A_112 = vector.broadcast %max3A_111 : f32 to vector<256x64xf32>
    %max3A_113 = arith.maximumf %sub3A_110, %max3A_112 : vector<256x64xf32>
    %convert_element_type3A_114 = arith.truncf %max3A_113 : vector<256x64xf32> to vector<256x64xbf16>
    %convert_element_type3A_115 = arith.extf %convert_element_type3A_114 : vector<256x64xbf16> to vector<256x64xf32>
    %sub3A_116 = arith.subf %max3A_113, %convert_element_type3A_115 : vector<256x64xf32>
    %convert_element_type3A_117 = arith.truncf %sub3A_116 : vector<256x64xf32> to vector<256x64xbf16>
    %dot_general3A_118 = arith.constant dense<0.000000e+00> : vector<256x64xf32>
    %dot_general3A_119 = tpu.matmul %convert_element_type3A_114, %convert_element_type3A, %dot_general3A_118 {dimension_numbers = #tpu.dot_dimension_numbers<[1], [0], [0], [1], [0, 0, 1, 1], [], []>, transpose_lhs_hint = false} : vector<256x64xbf16>, vector<64x64xbf16>, vector<256x64xf32> -> vector<256x64xf32>
    %dot_general3A_120 = arith.constant dense<0.000000e+00> : vector<256x64xf32>
    %dot_general3A_121 = tpu.matmul %convert_element_type3A_114, %convert_element_type3A_12, %dot_general3A_120 {dimension_numbers = #tpu.dot_dimension_numbers<[1], [0], [0], [1], [0, 0, 1, 1], [], []>, transpose_lhs_hint = false} : vector<256x64xbf16>, vector<64x64xbf16>, vector<256x64xf32> -> vector<256x64xf32>
    %dot_general3A_122 = arith.constant dense<0.000000e+00> : vector<256x64xf32>
    %dot_general3A_123 = tpu.matmul %convert_element_type3A_117, %convert_element_type3A, %dot_general3A_122 {dimension_numbers = #tpu.dot_dimension_numbers<[1], [0], [0], [1], [0, 0, 1, 1], [], []>, transpose_lhs_hint = false} : vector<256x64xbf16>, vector<64x64xbf16>, vector<256x64xf32> -> vector<256x64xf32>
    %add3A_124 = arith.addf %dot_general3A_121, %dot_general3A_123 : vector<256x64xf32>
    %add3A_125 = arith.addf %dot_general3A_119, %add3A_124 : vector<256x64xf32>
    %max3A_126 = arith.maximumf %max3A_103, %add3A_125 : vector<256x64xf32>
    %get3A_127 = arith.constant 0 : index
    %get3A_128 = arith.constant 5 : index
    %get3A_129 = arith.constant 0 : index
    %get3A_130 = arith.constant 0 : index
    %get3A_131 = vector.load %arg2[%get3A_127, %get3A_128, %get3A_129, %get3A_130] : memref<1x16x256x128xf32, #tpu.memory_space<vmem>>, vector<1x1x256x64xf32>
    %get3A_132 = vector.shape_cast %get3A_131 : vector<1x1x256x64xf32> to vector<256x64xf32>
    %sub3A_133 = arith.subf %get3A_132, %dot_general3A_7 : vector<256x64xf32>
    %max3A_134 = arith.constant 0.000000e+00 : f32
    %max3A_135 = vector.broadcast %max3A_134 : f32 to vector<256x64xf32>
    %max3A_136 = arith.maximumf %sub3A_133, %max3A_135 : vector<256x64xf32>
    %convert_element_type3A_137 = arith.truncf %max3A_136 : vector<256x64xf32> to vector<256x64xbf16>
    %convert_element_type3A_138 = arith.extf %convert_element_type3A_137 : vector<256x64xbf16> to vector<256x64xf32>
    %sub3A_139 = arith.subf %max3A_136, %convert_element_type3A_138 : vector<256x64xf32>
    %convert_element_type3A_140 = arith.truncf %sub3A_139 : vector<256x64xf32> to vector<256x64xbf16>
    %dot_general3A_141 = arith.constant dense<0.000000e+00> : vector<256x64xf32>
    %dot_general3A_142 = tpu.matmul %convert_element_type3A_137, %convert_element_type3A, %dot_general3A_141 {dimension_numbers = #tpu.dot_dimension_numbers<[1], [0], [0], [1], [0, 0, 1, 1], [], []>, transpose_lhs_hint = false} : vector<256x64xbf16>, vector<64x64xbf16>, vector<256x64xf32> -> vector<256x64xf32>
    %dot_general3A_143 = arith.constant dense<0.000000e+00> : vector<256x64xf32>
    %dot_general3A_144 = tpu.matmul %convert_element_type3A_137, %convert_element_type3A_12, %dot_general3A_143 {dimension_numbers = #tpu.dot_dimension_numbers<[1], [0], [0], [1], [0, 0, 1, 1], [], []>, transpose_lhs_hint = false} : vector<256x64xbf16>, vector<64x64xbf16>, vector<256x64xf32> -> vector<256x64xf32>
    %dot_general3A_145 = arith.constant dense<0.000000e+00> : vector<256x64xf32>
    %dot_general3A_146 = tpu.matmul %convert_element_type3A_140, %convert_element_type3A, %dot_general3A_145 {dimension_numbers = #tpu.dot_dimension_numbers<[1], [0], [0], [1], [0, 0, 1, 1], [], []>, transpose_lhs_hint = false} : vector<256x64xbf16>, vector<64x64xbf16>, vector<256x64xf32> -> vector<256x64xf32>
    %add3A_147 = arith.addf %dot_general3A_144, %dot_general3A_146 : vector<256x64xf32>
    %add3A_148 = arith.addf %dot_general3A_142, %add3A_147 : vector<256x64xf32>
    %max3A_149 = arith.maximumf %max3A_126, %add3A_148 : vector<256x64xf32>
    %get3A_150 = arith.constant 0 : index
    %get3A_151 = arith.constant 6 : index
    %get3A_152 = arith.constant 0 : index
    %get3A_153 = arith.constant 0 : index
    %get3A_154 = vector.load %arg2[%get3A_150, %get3A_151, %get3A_152, %get3A_153] : memref<1x16x256x128xf32, #tpu.memory_space<vmem>>, vector<1x1x256x64xf32>
    %get3A_155 = vector.shape_cast %get3A_154 : vector<1x1x256x64xf32> to vector<256x64xf32>
    %sub3A_156 = arith.subf %get3A_155, %dot_general3A_7 : vector<256x64xf32>
    %max3A_157 = arith.constant 0.000000e+00 : f32
    %max3A_158 = vector.broadcast %max3A_157 : f32 to vector<256x64xf32>
    %max3A_159 = arith.maximumf %sub3A_156, %max3A_158 : vector<256x64xf32>
    %convert_element_type3A_160 = arith.truncf %max3A_159 : vector<256x64xf32> to vector<256x64xbf16>
    %convert_element_type3A_161 = arith.extf %convert_element_type3A_160 : vector<256x64xbf16> to vector<256x64xf32>
    %sub3A_162 = arith.subf %max3A_159, %convert_element_type3A_161 : vector<256x64xf32>
    %convert_element_type3A_163 = arith.truncf %sub3A_162 : vector<256x64xf32> to vector<256x64xbf16>
    %dot_general3A_164 = arith.constant dense<0.000000e+00> : vector<256x64xf32>
    %dot_general3A_165 = tpu.matmul %convert_element_type3A_160, %convert_element_type3A, %dot_general3A_164 {dimension_numbers = #tpu.dot_dimension_numbers<[1], [0], [0], [1], [0, 0, 1, 1], [], []>, transpose_lhs_hint = false} : vector<256x64xbf16>, vector<64x64xbf16>, vector<256x64xf32> -> vector<256x64xf32>
    %dot_general3A_166 = arith.constant dense<0.000000e+00> : vector<256x64xf32>
    %dot_general3A_167 = tpu.matmul %convert_element_type3A_160, %convert_element_type3A_12, %dot_general3A_166 {dimension_numbers = #tpu.dot_dimension_numbers<[1], [0], [0], [1], [0, 0, 1, 1], [], []>, transpose_lhs_hint = false} : vector<256x64xbf16>, vector<64x64xbf16>, vector<256x64xf32> -> vector<256x64xf32>
    %dot_general3A_168 = arith.constant dense<0.000000e+00> : vector<256x64xf32>
    %dot_general3A_169 = tpu.matmul %convert_element_type3A_163, %convert_element_type3A, %dot_general3A_168 {dimension_numbers = #tpu.dot_dimension_numbers<[1], [0], [0], [1], [0, 0, 1, 1], [], []>, transpose_lhs_hint = false} : vector<256x64xbf16>, vector<64x64xbf16>, vector<256x64xf32> -> vector<256x64xf32>
    %add3A_170 = arith.addf %dot_general3A_167, %dot_general3A_169 : vector<256x64xf32>
    %add3A_171 = arith.addf %dot_general3A_165, %add3A_170 : vector<256x64xf32>
    %max3A_172 = arith.maximumf %max3A_149, %add3A_171 : vector<256x64xf32>
    %get3A_173 = arith.constant 0 : index
    %get3A_174 = arith.constant 7 : index
    %get3A_175 = arith.constant 0 : index
    %get3A_176 = arith.constant 0 : index
    %get3A_177 = vector.load %arg2[%get3A_173, %get3A_174, %get3A_175, %get3A_176] : memref<1x16x256x128xf32, #tpu.memory_space<vmem>>, vector<1x1x256x64xf32>
    %get3A_178 = vector.shape_cast %get3A_177 : vector<1x1x256x64xf32> to vector<256x64xf32>
    %sub3A_179 = arith.subf %get3A_178, %dot_general3A_7 : vector<256x64xf32>
    %max3A_180 = arith.constant 0.000000e+00 : f32
    %max3A_181 = vector.broadcast %max3A_180 : f32 to vector<256x64xf32>
    %max3A_182 = arith.maximumf %sub3A_179, %max3A_181 : vector<256x64xf32>
    %convert_element_type3A_183 = arith.truncf %max3A_182 : vector<256x64xf32> to vector<256x64xbf16>
    %convert_element_type3A_184 = arith.extf %convert_element_type3A_183 : vector<256x64xbf16> to vector<256x64xf32>
    %sub3A_185 = arith.subf %max3A_182, %convert_element_type3A_184 : vector<256x64xf32>
    %convert_element_type3A_186 = arith.truncf %sub3A_185 : vector<256x64xf32> to vector<256x64xbf16>
    %dot_general3A_187 = arith.constant dense<0.000000e+00> : vector<256x64xf32>
    %dot_general3A_188 = tpu.matmul %convert_element_type3A_183, %convert_element_type3A, %dot_general3A_187 {dimension_numbers = #tpu.dot_dimension_numbers<[1], [0], [0], [1], [0, 0, 1, 1], [], []>, transpose_lhs_hint = false} : vector<256x64xbf16>, vector<64x64xbf16>, vector<256x64xf32> -> vector<256x64xf32>
    %dot_general3A_189 = arith.constant dense<0.000000e+00> : vector<256x64xf32>
    %dot_general3A_190 = tpu.matmul %convert_element_type3A_183, %convert_element_type3A_12, %dot_general3A_189 {dimension_numbers = #tpu.dot_dimension_numbers<[1], [0], [0], [1], [0, 0, 1, 1], [], []>, transpose_lhs_hint = false} : vector<256x64xbf16>, vector<64x64xbf16>, vector<256x64xf32> -> vector<256x64xf32>
    %dot_general3A_191 = arith.constant dense<0.000000e+00> : vector<256x64xf32>
    %dot_general3A_192 = tpu.matmul %convert_element_type3A_186, %convert_element_type3A, %dot_general3A_191 {dimension_numbers = #tpu.dot_dimension_numbers<[1], [0], [0], [1], [0, 0, 1, 1], [], []>, transpose_lhs_hint = false} : vector<256x64xbf16>, vector<64x64xbf16>, vector<256x64xf32> -> vector<256x64xf32>
    %add3A_193 = arith.addf %dot_general3A_190, %dot_general3A_192 : vector<256x64xf32>
    %add3A_194 = arith.addf %dot_general3A_188, %add3A_193 : vector<256x64xf32>
    %max3A_195 = arith.maximumf %max3A_172, %add3A_194 : vector<256x64xf32>
    %get3A_196 = arith.constant 0 : index
    %get3A_197 = arith.constant 8 : index
    %get3A_198 = arith.constant 0 : index
    %get3A_199 = arith.constant 0 : index
    %get3A_200 = vector.load %arg2[%get3A_196, %get3A_197, %get3A_198, %get3A_199] : memref<1x16x256x128xf32, #tpu.memory_space<vmem>>, vector<1x1x256x64xf32>
    %get3A_201 = vector.shape_cast %get3A_200 : vector<1x1x256x64xf32> to vector<256x64xf32>
    %sub3A_202 = arith.subf %get3A_201, %dot_general3A_7 : vector<256x64xf32>
    %max3A_203 = arith.constant 0.000000e+00 : f32
    %max3A_204 = vector.broadcast %max3A_203 : f32 to vector<256x64xf32>
    %max3A_205 = arith.maximumf %sub3A_202, %max3A_204 : vector<256x64xf32>
    %convert_element_type3A_206 = arith.truncf %max3A_205 : vector<256x64xf32> to vector<256x64xbf16>
    %convert_element_type3A_207 = arith.extf %convert_element_type3A_206 : vector<256x64xbf16> to vector<256x64xf32>
    %sub3A_208 = arith.subf %max3A_205, %convert_element_type3A_207 : vector<256x64xf32>
    %convert_element_type3A_209 = arith.truncf %sub3A_208 : vector<256x64xf32> to vector<256x64xbf16>
    %dot_general3A_210 = arith.constant dense<0.000000e+00> : vector<256x64xf32>
    %dot_general3A_211 = tpu.matmul %convert_element_type3A_206, %convert_element_type3A, %dot_general3A_210 {dimension_numbers = #tpu.dot_dimension_numbers<[1], [0], [0], [1], [0, 0, 1, 1], [], []>, transpose_lhs_hint = false} : vector<256x64xbf16>, vector<64x64xbf16>, vector<256x64xf32> -> vector<256x64xf32>
    %dot_general3A_212 = arith.constant dense<0.000000e+00> : vector<256x64xf32>
    %dot_general3A_213 = tpu.matmul %convert_element_type3A_206, %convert_element_type3A_12, %dot_general3A_212 {dimension_numbers = #tpu.dot_dimension_numbers<[1], [0], [0], [1], [0, 0, 1, 1], [], []>, transpose_lhs_hint = false} : vector<256x64xbf16>, vector<64x64xbf16>, vector<256x64xf32> -> vector<256x64xf32>
    %dot_general3A_214 = arith.constant dense<0.000000e+00> : vector<256x64xf32>
    %dot_general3A_215 = tpu.matmul %convert_element_type3A_209, %convert_element_type3A, %dot_general3A_214 {dimension_numbers = #tpu.dot_dimension_numbers<[1], [0], [0], [1], [0, 0, 1, 1], [], []>, transpose_lhs_hint = false} : vector<256x64xbf16>, vector<64x64xbf16>, vector<256x64xf32> -> vector<256x64xf32>
    %add3A_216 = arith.addf %dot_general3A_213, %dot_general3A_215 : vector<256x64xf32>
    %add3A_217 = arith.addf %dot_general3A_211, %add3A_216 : vector<256x64xf32>
    %max3A_218 = arith.maximumf %max3A_195, %add3A_217 : vector<256x64xf32>
    %get3A_219 = arith.constant 0 : index
    %get3A_220 = arith.constant 9 : index
    %get3A_221 = arith.constant 0 : index
    %get3A_222 = arith.constant 0 : index
    %get3A_223 = vector.load %arg2[%get3A_219, %get3A_220, %get3A_221, %get3A_222] : memref<1x16x256x128xf32, #tpu.memory_space<vmem>>, vector<1x1x256x64xf32>
    %get3A_224 = vector.shape_cast %get3A_223 : vector<1x1x256x64xf32> to vector<256x64xf32>
    %sub3A_225 = arith.subf %get3A_224, %dot_general3A_7 : vector<256x64xf32>
    %max3A_226 = arith.constant 0.000000e+00 : f32
    %max3A_227 = vector.broadcast %max3A_226 : f32 to vector<256x64xf32>
    %max3A_228 = arith.maximumf %sub3A_225, %max3A_227 : vector<256x64xf32>
    %convert_element_type3A_229 = arith.truncf %max3A_228 : vector<256x64xf32> to vector<256x64xbf16>
    %convert_element_type3A_230 = arith.extf %convert_element_type3A_229 : vector<256x64xbf16> to vector<256x64xf32>
    %sub3A_231 = arith.subf %max3A_228, %convert_element_type3A_230 : vector<256x64xf32>
    %convert_element_type3A_232 = arith.truncf %sub3A_231 : vector<256x64xf32> to vector<256x64xbf16>
    %dot_general3A_233 = arith.constant dense<0.000000e+00> : vector<256x64xf32>
    %dot_general3A_234 = tpu.matmul %convert_element_type3A_229, %convert_element_type3A, %dot_general3A_233 {dimension_numbers = #tpu.dot_dimension_numbers<[1], [0], [0], [1], [0, 0, 1, 1], [], []>, transpose_lhs_hint = false} : vector<256x64xbf16>, vector<64x64xbf16>, vector<256x64xf32> -> vector<256x64xf32>
    %dot_general3A_235 = arith.constant dense<0.000000e+00> : vector<256x64xf32>
    %dot_general3A_236 = tpu.matmul %convert_element_type3A_229, %convert_element_type3A_12, %dot_general3A_235 {dimension_numbers = #tpu.dot_dimension_numbers<[1], [0], [0], [1], [0, 0, 1, 1], [], []>, transpose_lhs_hint = false} : vector<256x64xbf16>, vector<64x64xbf16>, vector<256x64xf32> -> vector<256x64xf32>
    %dot_general3A_237 = arith.constant dense<0.000000e+00> : vector<256x64xf32>
    %dot_general3A_238 = tpu.matmul %convert_element_type3A_232, %convert_element_type3A, %dot_general3A_237 {dimension_numbers = #tpu.dot_dimension_numbers<[1], [0], [0], [1], [0, 0, 1, 1], [], []>, transpose_lhs_hint = false} : vector<256x64xbf16>, vector<64x64xbf16>, vector<256x64xf32> -> vector<256x64xf32>
    %add3A_239 = arith.addf %dot_general3A_236, %dot_general3A_238 : vector<256x64xf32>
    %add3A_240 = arith.addf %dot_general3A_234, %add3A_239 : vector<256x64xf32>
    %max3A_241 = arith.maximumf %max3A_218, %add3A_240 : vector<256x64xf32>
    %get3A_242 = arith.constant 0 : index
    %get3A_243 = arith.constant 10 : index
    %get3A_244 = arith.constant 0 : index
    %get3A_245 = arith.constant 0 : index
    %get3A_246 = vector.load %arg2[%get3A_242, %get3A_243, %get3A_244, %get3A_245] : memref<1x16x256x128xf32, #tpu.memory_space<vmem>>, vector<1x1x256x64xf32>
    %get3A_247 = vector.shape_cast %get3A_246 : vector<1x1x256x64xf32> to vector<256x64xf32>
    %sub3A_248 = arith.subf %get3A_247, %dot_general3A_7 : vector<256x64xf32>
    %max3A_249 = arith.constant 0.000000e+00 : f32
    %max3A_250 = vector.broadcast %max3A_249 : f32 to vector<256x64xf32>
    %max3A_251 = arith.maximumf %sub3A_248, %max3A_250 : vector<256x64xf32>
    %convert_element_type3A_252 = arith.truncf %max3A_251 : vector<256x64xf32> to vector<256x64xbf16>
    %convert_element_type3A_253 = arith.extf %convert_element_type3A_252 : vector<256x64xbf16> to vector<256x64xf32>
    %sub3A_254 = arith.subf %max3A_251, %convert_element_type3A_253 : vector<256x64xf32>
    %convert_element_type3A_255 = arith.truncf %sub3A_254 : vector<256x64xf32> to vector<256x64xbf16>
    %dot_general3A_256 = arith.constant dense<0.000000e+00> : vector<256x64xf32>
    %dot_general3A_257 = tpu.matmul %convert_element_type3A_252, %convert_element_type3A, %dot_general3A_256 {dimension_numbers = #tpu.dot_dimension_numbers<[1], [0], [0], [1], [0, 0, 1, 1], [], []>, transpose_lhs_hint = false} : vector<256x64xbf16>, vector<64x64xbf16>, vector<256x64xf32> -> vector<256x64xf32>
    %dot_general3A_258 = arith.constant dense<0.000000e+00> : vector<256x64xf32>
    %dot_general3A_259 = tpu.matmul %convert_element_type3A_252, %convert_element_type3A_12, %dot_general3A_258 {dimension_numbers = #tpu.dot_dimension_numbers<[1], [0], [0], [1], [0, 0, 1, 1], [], []>, transpose_lhs_hint = false} : vector<256x64xbf16>, vector<64x64xbf16>, vector<256x64xf32> -> vector<256x64xf32>
    %dot_general3A_260 = arith.constant dense<0.000000e+00> : vector<256x64xf32>
    %dot_general3A_261 = tpu.matmul %convert_element_type3A_255, %convert_element_type3A, %dot_general3A_260 {dimension_numbers = #tpu.dot_dimension_numbers<[1], [0], [0], [1], [0, 0, 1, 1], [], []>, transpose_lhs_hint = false} : vector<256x64xbf16>, vector<64x64xbf16>, vector<256x64xf32> -> vector<256x64xf32>
    %add3A_262 = arith.addf %dot_general3A_259, %dot_general3A_261 : vector<256x64xf32>
    %add3A_263 = arith.addf %dot_general3A_257, %add3A_262 : vector<256x64xf32>
    %max3A_264 = arith.maximumf %max3A_241, %add3A_263 : vector<256x64xf32>
    %get3A_265 = arith.constant 0 : index
    %get3A_266 = arith.constant 11 : index
    %get3A_267 = arith.constant 0 : index
    %get3A_268 = arith.constant 0 : index
    %get3A_269 = vector.load %arg2[%get3A_265, %get3A_266, %get3A_267, %get3A_268] : memref<1x16x256x128xf32, #tpu.memory_space<vmem>>, vector<1x1x256x64xf32>
    %get3A_270 = vector.shape_cast %get3A_269 : vector<1x1x256x64xf32> to vector<256x64xf32>
    %sub3A_271 = arith.subf %get3A_270, %dot_general3A_7 : vector<256x64xf32>
    %max3A_272 = arith.constant 0.000000e+00 : f32
    %max3A_273 = vector.broadcast %max3A_272 : f32 to vector<256x64xf32>
    %max3A_274 = arith.maximumf %sub3A_271, %max3A_273 : vector<256x64xf32>
    %convert_element_type3A_275 = arith.truncf %max3A_274 : vector<256x64xf32> to vector<256x64xbf16>
    %convert_element_type3A_276 = arith.extf %convert_element_type3A_275 : vector<256x64xbf16> to vector<256x64xf32>
    %sub3A_277 = arith.subf %max3A_274, %convert_element_type3A_276 : vector<256x64xf32>
    %convert_element_type3A_278 = arith.truncf %sub3A_277 : vector<256x64xf32> to vector<256x64xbf16>
    %dot_general3A_279 = arith.constant dense<0.000000e+00> : vector<256x64xf32>
    %dot_general3A_280 = tpu.matmul %convert_element_type3A_275, %convert_element_type3A, %dot_general3A_279 {dimension_numbers = #tpu.dot_dimension_numbers<[1], [0], [0], [1], [0, 0, 1, 1], [], []>, transpose_lhs_hint = false} : vector<256x64xbf16>, vector<64x64xbf16>, vector<256x64xf32> -> vector<256x64xf32>
    %dot_general3A_281 = arith.constant dense<0.000000e+00> : vector<256x64xf32>
    %dot_general3A_282 = tpu.matmul %convert_element_type3A_275, %convert_element_type3A_12, %dot_general3A_281 {dimension_numbers = #tpu.dot_dimension_numbers<[1], [0], [0], [1], [0, 0, 1, 1], [], []>, transpose_lhs_hint = false} : vector<256x64xbf16>, vector<64x64xbf16>, vector<256x64xf32> -> vector<256x64xf32>
    %dot_general3A_283 = arith.constant dense<0.000000e+00> : vector<256x64xf32>
    %dot_general3A_284 = tpu.matmul %convert_element_type3A_278, %convert_element_type3A, %dot_general3A_283 {dimension_numbers = #tpu.dot_dimension_numbers<[1], [0], [0], [1], [0, 0, 1, 1], [], []>, transpose_lhs_hint = false} : vector<256x64xbf16>, vector<64x64xbf16>, vector<256x64xf32> -> vector<256x64xf32>
    %add3A_285 = arith.addf %dot_general3A_282, %dot_general3A_284 : vector<256x64xf32>
    %add3A_286 = arith.addf %dot_general3A_280, %add3A_285 : vector<256x64xf32>
    %max3A_287 = arith.maximumf %max3A_264, %add3A_286 : vector<256x64xf32>
    %get3A_288 = arith.constant 0 : index
    %get3A_289 = arith.constant 12 : index
    %get3A_290 = arith.constant 0 : index
    %get3A_291 = arith.constant 0 : index
    %get3A_292 = vector.load %arg2[%get3A_288, %get3A_289, %get3A_290, %get3A_291] : memref<1x16x256x128xf32, #tpu.memory_space<vmem>>, vector<1x1x256x64xf32>
    %get3A_293 = vector.shape_cast %get3A_292 : vector<1x1x256x64xf32> to vector<256x64xf32>
    %sub3A_294 = arith.subf %get3A_293, %dot_general3A_7 : vector<256x64xf32>
    %max3A_295 = arith.constant 0.000000e+00 : f32
    %max3A_296 = vector.broadcast %max3A_295 : f32 to vector<256x64xf32>
    %max3A_297 = arith.maximumf %sub3A_294, %max3A_296 : vector<256x64xf32>
    %convert_element_type3A_298 = arith.truncf %max3A_297 : vector<256x64xf32> to vector<256x64xbf16>
    %convert_element_type3A_299 = arith.extf %convert_element_type3A_298 : vector<256x64xbf16> to vector<256x64xf32>
    %sub3A_300 = arith.subf %max3A_297, %convert_element_type3A_299 : vector<256x64xf32>
    %convert_element_type3A_301 = arith.truncf %sub3A_300 : vector<256x64xf32> to vector<256x64xbf16>
    %dot_general3A_302 = arith.constant dense<0.000000e+00> : vector<256x64xf32>
    %dot_general3A_303 = tpu.matmul %convert_element_type3A_298, %convert_element_type3A, %dot_general3A_302 {dimension_numbers = #tpu.dot_dimension_numbers<[1], [0], [0], [1], [0, 0, 1, 1], [], []>, transpose_lhs_hint = false} : vector<256x64xbf16>, vector<64x64xbf16>, vector<256x64xf32> -> vector<256x64xf32>
    %dot_general3A_304 = arith.constant dense<0.000000e+00> : vector<256x64xf32>
    %dot_general3A_305 = tpu.matmul %convert_element_type3A_298, %convert_element_type3A_12, %dot_general3A_304 {dimension_numbers = #tpu.dot_dimension_numbers<[1], [0], [0], [1], [0, 0, 1, 1], [], []>, transpose_lhs_hint = false} : vector<256x64xbf16>, vector<64x64xbf16>, vector<256x64xf32> -> vector<256x64xf32>
    %dot_general3A_306 = arith.constant dense<0.000000e+00> : vector<256x64xf32>
    %dot_general3A_307 = tpu.matmul %convert_element_type3A_301, %convert_element_type3A, %dot_general3A_306 {dimension_numbers = #tpu.dot_dimension_numbers<[1], [0], [0], [1], [0, 0, 1, 1], [], []>, transpose_lhs_hint = false} : vector<256x64xbf16>, vector<64x64xbf16>, vector<256x64xf32> -> vector<256x64xf32>
    %add3A_308 = arith.addf %dot_general3A_305, %dot_general3A_307 : vector<256x64xf32>
    %add3A_309 = arith.addf %dot_general3A_303, %add3A_308 : vector<256x64xf32>
    %max3A_310 = arith.maximumf %max3A_287, %add3A_309 : vector<256x64xf32>
    %get3A_311 = arith.constant 0 : index
    %get3A_312 = arith.constant 13 : index
    %get3A_313 = arith.constant 0 : index
    %get3A_314 = arith.constant 0 : index
    %get3A_315 = vector.load %arg2[%get3A_311, %get3A_312, %get3A_313, %get3A_314] : memref<1x16x256x128xf32, #tpu.memory_space<vmem>>, vector<1x1x256x64xf32>
    %get3A_316 = vector.shape_cast %get3A_315 : vector<1x1x256x64xf32> to vector<256x64xf32>
    %sub3A_317 = arith.subf %get3A_316, %dot_general3A_7 : vector<256x64xf32>
    %max3A_318 = arith.constant 0.000000e+00 : f32
    %max3A_319 = vector.broadcast %max3A_318 : f32 to vector<256x64xf32>
    %max3A_320 = arith.maximumf %sub3A_317, %max3A_319 : vector<256x64xf32>
    %convert_element_type3A_321 = arith.truncf %max3A_320 : vector<256x64xf32> to vector<256x64xbf16>
    %convert_element_type3A_322 = arith.extf %convert_element_type3A_321 : vector<256x64xbf16> to vector<256x64xf32>
    %sub3A_323 = arith.subf %max3A_320, %convert_element_type3A_322 : vector<256x64xf32>
    %convert_element_type3A_324 = arith.truncf %sub3A_323 : vector<256x64xf32> to vector<256x64xbf16>
    %dot_general3A_325 = arith.constant dense<0.000000e+00> : vector<256x64xf32>
    %dot_general3A_326 = tpu.matmul %convert_element_type3A_321, %convert_element_type3A, %dot_general3A_325 {dimension_numbers = #tpu.dot_dimension_numbers<[1], [0], [0], [1], [0, 0, 1, 1], [], []>, transpose_lhs_hint = false} : vector<256x64xbf16>, vector<64x64xbf16>, vector<256x64xf32> -> vector<256x64xf32>
    %dot_general3A_327 = arith.constant dense<0.000000e+00> : vector<256x64xf32>
    %dot_general3A_328 = tpu.matmul %convert_element_type3A_321, %convert_element_type3A_12, %dot_general3A_327 {dimension_numbers = #tpu.dot_dimension_numbers<[1], [0], [0], [1], [0, 0, 1, 1], [], []>, transpose_lhs_hint = false} : vector<256x64xbf16>, vector<64x64xbf16>, vector<256x64xf32> -> vector<256x64xf32>
    %dot_general3A_329 = arith.constant dense<0.000000e+00> : vector<256x64xf32>
    %dot_general3A_330 = tpu.matmul %convert_element_type3A_324, %convert_element_type3A, %dot_general3A_329 {dimension_numbers = #tpu.dot_dimension_numbers<[1], [0], [0], [1], [0, 0, 1, 1], [], []>, transpose_lhs_hint = false} : vector<256x64xbf16>, vector<64x64xbf16>, vector<256x64xf32> -> vector<256x64xf32>
    %add3A_331 = arith.addf %dot_general3A_328, %dot_general3A_330 : vector<256x64xf32>
    %add3A_332 = arith.addf %dot_general3A_326, %add3A_331 : vector<256x64xf32>
    %max3A_333 = arith.maximumf %max3A_310, %add3A_332 : vector<256x64xf32>
    %get3A_334 = arith.constant 0 : index
    %get3A_335 = arith.constant 14 : index
    %get3A_336 = arith.constant 0 : index
    %get3A_337 = arith.constant 0 : index
    %get3A_338 = vector.load %arg2[%get3A_334, %get3A_335, %get3A_336, %get3A_337] : memref<1x16x256x128xf32, #tpu.memory_space<vmem>>, vector<1x1x256x64xf32>
    %get3A_339 = vector.shape_cast %get3A_338 : vector<1x1x256x64xf32> to vector<256x64xf32>
    %sub3A_340 = arith.subf %get3A_339, %dot_general3A_7 : vector<256x64xf32>
    %max3A_341 = arith.constant 0.000000e+00 : f32
    %max3A_342 = vector.broadcast %max3A_341 : f32 to vector<256x64xf32>
    %max3A_343 = arith.maximumf %sub3A_340, %max3A_342 : vector<256x64xf32>
    %convert_element_type3A_344 = arith.truncf %max3A_343 : vector<256x64xf32> to vector<256x64xbf16>
    %convert_element_type3A_345 = arith.extf %convert_element_type3A_344 : vector<256x64xbf16> to vector<256x64xf32>
    %sub3A_346 = arith.subf %max3A_343, %convert_element_type3A_345 : vector<256x64xf32>
    %convert_element_type3A_347 = arith.truncf %sub3A_346 : vector<256x64xf32> to vector<256x64xbf16>
    %dot_general3A_348 = arith.constant dense<0.000000e+00> : vector<256x64xf32>
    %dot_general3A_349 = tpu.matmul %convert_element_type3A_344, %convert_element_type3A, %dot_general3A_348 {dimension_numbers = #tpu.dot_dimension_numbers<[1], [0], [0], [1], [0, 0, 1, 1], [], []>, transpose_lhs_hint = false} : vector<256x64xbf16>, vector<64x64xbf16>, vector<256x64xf32> -> vector<256x64xf32>
    %dot_general3A_350 = arith.constant dense<0.000000e+00> : vector<256x64xf32>
    %dot_general3A_351 = tpu.matmul %convert_element_type3A_344, %convert_element_type3A_12, %dot_general3A_350 {dimension_numbers = #tpu.dot_dimension_numbers<[1], [0], [0], [1], [0, 0, 1, 1], [], []>, transpose_lhs_hint = false} : vector<256x64xbf16>, vector<64x64xbf16>, vector<256x64xf32> -> vector<256x64xf32>
    %dot_general3A_352 = arith.constant dense<0.000000e+00> : vector<256x64xf32>
    %dot_general3A_353 = tpu.matmul %convert_element_type3A_347, %convert_element_type3A, %dot_general3A_352 {dimension_numbers = #tpu.dot_dimension_numbers<[1], [0], [0], [1], [0, 0, 1, 1], [], []>, transpose_lhs_hint = false} : vector<256x64xbf16>, vector<64x64xbf16>, vector<256x64xf32> -> vector<256x64xf32>
    %add3A_354 = arith.addf %dot_general3A_351, %dot_general3A_353 : vector<256x64xf32>
    %add3A_355 = arith.addf %dot_general3A_349, %add3A_354 : vector<256x64xf32>
    %max3A_356 = arith.maximumf %max3A_333, %add3A_355 : vector<256x64xf32>
    %get3A_357 = arith.constant 0 : index
    %get3A_358 = arith.constant 15 : index
    %get3A_359 = arith.constant 0 : index
    %get3A_360 = arith.constant 0 : index
    %get3A_361 = vector.load %arg2[%get3A_357, %get3A_358, %get3A_359, %get3A_360] : memref<1x16x256x128xf32, #tpu.memory_space<vmem>>, vector<1x1x256x64xf32>
    %get3A_362 = vector.shape_cast %get3A_361 : vector<1x1x256x64xf32> to vector<256x64xf32>
    %sub3A_363 = arith.subf %get3A_362, %dot_general3A_7 : vector<256x64xf32>
    %max3A_364 = arith.constant 0.000000e+00 : f32
    %max3A_365 = vector.broadcast %max3A_364 : f32 to vector<256x64xf32>
    %max3A_366 = arith.maximumf %sub3A_363, %max3A_365 : vector<256x64xf32>
    %convert_element_type3A_367 = arith.truncf %max3A_366 : vector<256x64xf32> to vector<256x64xbf16>
    %convert_element_type3A_368 = arith.extf %convert_element_type3A_367 : vector<256x64xbf16> to vector<256x64xf32>
    %sub3A_369 = arith.subf %max3A_366, %convert_element_type3A_368 : vector<256x64xf32>
    %convert_element_type3A_370 = arith.truncf %sub3A_369 : vector<256x64xf32> to vector<256x64xbf16>
    %dot_general3A_371 = arith.constant dense<0.000000e+00> : vector<256x64xf32>
    %dot_general3A_372 = tpu.matmul %convert_element_type3A_367, %convert_element_type3A, %dot_general3A_371 {dimension_numbers = #tpu.dot_dimension_numbers<[1], [0], [0], [1], [0, 0, 1, 1], [], []>, transpose_lhs_hint = false} : vector<256x64xbf16>, vector<64x64xbf16>, vector<256x64xf32> -> vector<256x64xf32>
    %dot_general3A_373 = arith.constant dense<0.000000e+00> : vector<256x64xf32>
    %dot_general3A_374 = tpu.matmul %convert_element_type3A_367, %convert_element_type3A_12, %dot_general3A_373 {dimension_numbers = #tpu.dot_dimension_numbers<[1], [0], [0], [1], [0, 0, 1, 1], [], []>, transpose_lhs_hint = false} : vector<256x64xbf16>, vector<64x64xbf16>, vector<256x64xf32> -> vector<256x64xf32>
    %dot_general3A_375 = arith.constant dense<0.000000e+00> : vector<256x64xf32>
    %dot_general3A_376 = tpu.matmul %convert_element_type3A_370, %convert_element_type3A, %dot_general3A_375 {dimension_numbers = #tpu.dot_dimension_numbers<[1], [0], [0], [1], [0, 0, 1, 1], [], []>, transpose_lhs_hint = false} : vector<256x64xbf16>, vector<64x64xbf16>, vector<256x64xf32> -> vector<256x64xf32>
    %add3A_377 = arith.addf %dot_general3A_374, %dot_general3A_376 : vector<256x64xf32>
    %add3A_378 = arith.addf %dot_general3A_372, %add3A_377 : vector<256x64xf32>
    %max3A_379 = arith.maximumf %max3A_356, %add3A_378 : vector<256x64xf32>
    %swap3A = arith.constant 0 : index
    %swap3A_380 = arith.constant 0 : index
    %swap3A_381 = arith.constant 0 : index
    %swap3A_382 = vector.load %arg6[%swap3A, %swap3A_380, %swap3A_381] : memref<1x256x64xf32, #tpu.memory_space<vmem>>, vector<1x256x64xf32>
    %swap3A_383 = vector.shape_cast %swap3A_382 : vector<1x256x64xf32> to vector<256x64xf32>
    %swap3A_384 = vector.shape_cast %max3A_379 : vector<256x64xf32> to vector<1x256x64xf32>
    tpu.vector_store %arg6[%swap3A, %swap3A_380, %swap3A_381], %swap3A_384 {strides = array<i32>} : memref<1x256x64xf32, #tpu.memory_space<vmem>>, vector<1x256x64xf32>,
    return
  }
  func.func @transform_0(%arg0: i32, %arg1: i32) -> (i32, i32, i32, i32) {
    %c0_i32 = arith.constant 0 : i32
    %c0_i32_0 = arith.constant 0 : i32
    %c0_i32_1 = arith.constant 0 : i32
    %c0_i32_2 = arith.constant 0 : i32
    return %c0_i32, %c0_i32_0, %arg1, %c0_i32_1 : i32, i32, i32, i32
  }
  func.func @transform_1(%arg0: i32, %arg1: i32) -> (i32, i32, i32) {
    %c0_i32 = arith.constant 0 : i32
    %c0_i32_0 = arith.constant 0 : i32
    %c0_i32_1 = arith.constant 0 : i32
    return %c0_i32, %arg1, %c0_i32_0 : i32, i32, i32
  }
  func.func @transform_2(%arg0: i32, %arg1: i32) -> (i32, i32) {
    %c0_i32 = arith.constant 0 : i32
    %c0_i32_0 = arith.constant 0 : i32
    %c0_i32_1 = arith.constant 0 : i32
    return %c0_i32, %c0_i32_0 : i32, i32
  }
  func.func @transform_3(%arg0: i32, %arg1: i32) -> (i32, i32) {
    %c0_i32 = arith.constant 0 : i32
    %c0_i32_0 = arith.constant 0 : i32
    %c0_i32_1 = arith.constant 0 : i32
    return %c0_i32, %c0_i32_0 : i32, i32
  }
  func.func @transform_4(%arg0: i32, %arg1: i32) -> (i32, i32, i32) {
    %c0_i32 = arith.constant 0 : i32
    %c0_i32_0 = arith.constant 0 : i32
    %c0_i32_1 = arith.constant 0 : i32
    return %c0_i32, %arg1, %c0_i32_0 : i32, i32, i32
  }
}

</mosaic_0001>

<sc_bundles>
// kernel: kernel.14.cloned.1.call-start
scs
__scs_entry_jumppad:
0x0: {  	(pc) =	sbr.rel $0x88, $3  }
0x1: {  	(tag) =	ssettag $0x0;
	lr =	simm.s32 $0x1  }
0x2: {  	[smem:$0x3F9E] =	sst lr;
	_ =	strace $0xD0000000  }
0x3: {  	_ = 	snop  }
0x4: {  	_ = 	snop  }
0x5: {  	_ = 	snop  }
0x6: {  	_ = 	snop  }
0x7: {  	_ = 	snop  }
__scs_overlays_trampoline_lowered:
0x8: {  	[smem:$0x3FAD] =	sst s0  }
0x9: {  	[smem:$0x3FAE] =	sst s1  }
0xa: {  	[smem:$0x3FAF] =	sst s2  }
0xb: {  	[smem:$0x3FB0] =	sst s3  }
0xc: {  	[smem:$0x3FB1] =	sst s4  }
0xd: {  	[smem:$0x3FB2] =	sst s5  }
0xe: {  	[smem:$0x3FB3] =	sst s6  }
0xf: {  	[smem:$0x3FB4] =	sst s7  }
0x10: {  	[smem:$0x3FB5] =	sst s8  }
0x11: {  	[smem:$0x3FB6] =	sst s9;
	s0 =	simm.s32 @!p0 $0x0  }
0x12: {  	s1 =	sld [smem:$0x3F9C];
	s0 =	simm.s32 @p0 $0x1  }
0x13: {  	[smem:$0x3FB7] =	sst s0;
	s0 =	simm.s32 @!p1 $0x0  }
0x14: {  	s2 =	sld [smem:$0x3F9B];
	s0 =	simm.s32 @p1 $0x1  }
0x15: {  	[smem:$0x3FB8] =	sst s0;
	s0 =	simm.s32 @!p2 $0x0  }
0x16: {  	s3 =	sld [smem:$0x3FDB];
	s0 =	simm.s32 @p2 $0x1  }
0x17: {  	s4 =	simm.s32 $0x1BF5;
	[smem:$0x3FBA] =	sst s0  }
0x18: {  	s0 =	sld [smem:$0x3F9D];
	_ =	swait.ge [sflag:s4], $0x0  }
0x19: {  	s7 =	sld [smem:$0x3F9E]  }
0x1a: {  	s8 =	sadd.s32 $0xFFFFE003, lr  }
0x1b: {  	s9 =	sadd.s32 $0xFFFFFEF7, lr;
	s5 =	simm.s32 $0xFFFFFFFF;
	p2 =	slt.u32 s8, $0xFFFFF086  }
0x1c: {  	p1 =	slt.u32 s9, $0xF7A;
	s5 =	simm.s32 @!p2 $0x0  }
0x1d: {  	s5 =	simm.s32 @p1 $0x1;
	p0 =	seq.s32 s7, s2  }
0x1e: {  	s7 =	smul.u32 @!p0 $0xF7A, s2;
	p2 =	seq.s32 @!p0 s5, $0x0  }
0x1f: {  	s9 =	smul.u32 $0xF7A, s1;
	s8 =	simm.s32 @!p0 $0x1BF5;
	p2 =	por !p2, p0  }
0x20: {  	[sflag:s8] =	ssyncset.s32 @!p0 $0xFFFFF086;
	s6 =	sadd.s32 @!p0 s3, s7;
	s7 =	simm.s32 @!p0 $0x108  }
0x21: {  	s3 =	sadd.s32 s3, s9;
	s6 =	sadd.s32 @!p0 $0x88, s6;
	s7 =	simm.s32 @p2 $0x1082  }
0x22: {  	[simem:s7], [sflag:s8] =	dma.local @!p0 [hbm:s6], $0xF7A  }
0x23: {  	s9 =	sor.u32 $0xD0000000, s2;
	s6 =	simm.s32 $0x108;
	_ =	swait.ge @!p0 [sflag:s8], $0x0  }
0x24: {  	s3 =	sadd.s32 $0x88, s3;
	s6 =	simm.s32 @!p1 $0x1082;
	[sflag:s4] =	ssyncset.s32 $0xFFFFF086  }
0x25: {  	[simem:s6], [sflag:s4] =	dma.local [hbm:s3], $0xF7A  }
0x26: {  	[smem:$0x3F9E] =	sst s1;
	(tag) =	ssettag s2;
	_ =	strace s9  }
0x27: {  	s1 =	sld [smem:$0x3FAE]  }
0x28: {  	s2 =	sld [smem:$0x3FAF]  }
0x29: {  	s4 =	sld [smem:$0x3FB1]  }
0x2a: {  	p0 =	seq.s32 s5, $0x0;
	s5 =	sld [smem:$0x3FB2]  }
0x2b: {  	s6 =	sld [smem:$0x3FB3]  }
0x2c: {  	s7 =	sld [smem:$0x3FB4]  }
0x2d: {  	s3 =	simm.s32 $0x108;
	s8 =	sld [smem:$0x3FB5]  }
0x2e: {  	s3 =	simm.s32 @!p0 $0x1082;
	s9 =	sld [smem:$0x3FB6]  }
0x2f: {  	lr =	sadd.s32 s0, s3;
	s0 =	sld [smem:$0x3FAD]  }
0x30: {  	s3 =	sld [smem:$0x3FB0]  }
0x31: {  	[smem:$0x3FB9] =	sst s10  }
0x32: {  	s10 =	sld [smem:$0x3FB7];
	_ =	sdelay $0x3  }
0x33: {  	p0 =	seq.s32 s10, $0x1;
	s10 =	sld [smem:$0x3FB9];
	_ =	sdelay $0x3  }
0x34: {  	[smem:$0x3FB9] =	sst s10  }
0x35: {  	s10 =	sld [smem:$0x3FB8];
	_ =	sdelay $0x3  }
0x36: {  	p1 =	seq.s32 s10, $0x1;
	s10 =	sld [smem:$0x3FB9];
	_ =	sdelay $0x3  }
0x37: {  	[smem:$0x3FB9] =	sst s10  }
0x38: {  	s10 =	sld [smem:$0x3FBA]  }
0x39: {  	_ = 	snop;
	(pc) =	sbr.ind lr, $3  }
0x3a: {  	_ = 	snop  }
0x3b: {  	_ = 	snop  }
0x3c: {  	p2 =	seq.s32 s10, $0x1;
	s10 =	sld [smem:$0x3FB9]  }
0x3d: {  	_ =	shalt  }
0x3e: {  	_ =	shalt  }
0x3f: {  	_ =	shalt  }
0x40: {  	_ =	shalt  }
0x41: {  	_ =	shalt  }
0x42: {  	_ =	shalt  }
0x43: {  	_ =	shalt  }
0x44: {  	_ =	shalt  }
0x45: {  	_ =	shalt  }
0x46: {  	_ =	shalt  }
0x47: {  	_ =	shalt  }
0x48: {  	_ =	shalt  }
0x49: {  	_ =	shalt  }
0x4a: {  	_ =	shalt  }
0x4b: {  	_ =	shalt  }
0x4c: {  	_ =	shalt  }
0x4d: {  	_ =	shalt  }
0x4e: {  	_ =	shalt  }
0x4f: {  	_ =	shalt  }
0x50: {  	_ =	shalt  }
0x51: {  	_ =	shalt  }
0x52: {  	_ =	shalt  }
0x53: {  	_ =	shalt  }
0x54: {  	_ =	shalt  }
0x55: {  	_ =	shalt  }
0x56: {  	_ =	shalt  }
0x57: {  	_ =	shalt  }
0x58: {  	_ =	shalt  }
0x59: {  	_ =	shalt  }
0x5a: {  	_ =	shalt  }
0x5b: {  	_ =	shalt  }
0x5c: {  	_ =	shalt  }
0x5d: {  	_ =	shalt  }
0x5e: {  	_ =	shalt  }
0x5f: {  	_ =	shalt  }
0x60: {  	_ =	shalt  }
0x61: {  	_ =	shalt  }
0x62: {  	_ =	shalt  }
0x63: {  	_ =	shalt  }
0x64: {  	_ =	shalt  }
0x65: {  	_ =	shalt  }
0x66: {  	_ =	shalt  }
0x67: {  	_ =	shalt  }
0x68: {  	_ =	shalt  }
0x69: {  	_ =	shalt  }
0x6a: {  	_ =	shalt  }
0x6b: {  	_ =	shalt  }
0x6c: {  	_ =	shalt  }
0x6d: {  	_ =	shalt  }
0x6e: {  	_ =	shalt  }
0x6f: {  	_ =	shalt  }
0x70: {  	_ =	shalt  }
0x71: {  	_ =	shalt  }
0x72: {  	_ =	shalt  }
0x73: {  	_ =	shalt  }
0x74: {  	_ =	shalt  }
0x75: {  	_ =	shalt  }
0x76: {  	_ =	shalt  }
0x77: {  	_ =	shalt  }
0x78: {  	_ =	shalt  }
0x79: {  	_ =	shalt  }
0x7a: {  	_ =	shalt  }
0x7b: {  	_ =	shalt  }
0x7c: {  	_ =	shalt  }
0x7d: {  	_ =	shalt  }
0x7e: {  	_ =	shalt  }
0x7f: {  	_ =	shalt  }
0x80: {  	_ =	shalt  }
0x81: {  	_ =	shalt  }
0x82: {  	_ =	shalt  }
0x83: {  	_ =	shalt  }
0x84: {  	_ =	shalt  }
0x85: {  	_ =	shalt  }
0x86: {  	_ =	shalt  }
0x87: {  	_ =	shalt  }
.Lfunc_end0:
.L_simem_size_0:
called_computation_lowered:
.L_overlay_start_0:
0x88: {  	s2 =	sld [smem:$0x3FD9]  }
0x89: {  	s3 =	sld [smem:$0x3FFE];
	_ =	sdelay $0x1  }
0x8a: {  	s1 =	srdreg.scid  }
0x8b: {  	s0 =	sand.u32 $0x1, s1  }
0x8c: {  	s16 =	sshll.u32 s0, $0xA;
	s2 =	sadd.s32 s3, s2  }
0x8d: {  	s2 =	sadd.s32 s2, s16  }
0x8e: {  	[smem:$0x3FC5] =	sst s2  }
0x8f: {  	_ = 	snop  }
0x90: {  	(tm) =	ssettm $0x1  }
0x91: {  	s17 =	sld [smem:$0x3FFB];
	_ =	sdelay $0x3  }
0x92: {  	_ =	strace s17  }
0x93: {  	s2 =	sld [smem:$0x3FFC];
	_ =	sdelay $0x3  }
0x94: {  	_ =	strace s2  }
0x95: {  	s2 =	sld [smem:$0x3FFD];
	_ =	sdelay $0x3  }
0x96: {  	_ =	strace s2  }
0x97: {  	_ =	strace $0x8FFFFFFF  }
0x98: {  	s18 =	sld [smem:$0x3FDB];
	_ =	sdelay $0x1  }
0x99: {  	s19 =	simm.s32 $_scs_section_size  }
0x9a: {  	s4 =	simm.s32 $_size__tile_overlayer_lowered;
	s5 =	simm.s32 $_tile_overlayer_lowered  }
0x9b: {  	s22 =	simm.s32 $0x1BFF;
	s21 =	sshll.u32 s5, $0x1;
	s2 =	sadd.s32 s19, s18  }
0x9c: {  	s6 =	simm.s32 $0x0;
	s20 =	sshll.u32 s4, $0x1;
	s4 =	sadd.s32 s21, s2  }
0x9d: {  	[timem:s6], [sflag:s22] =	dma.local [hbm:s4], s20  }
0x9e: {  	_ =	swait.ge [sflag:s22], s20  }
0x9f: {  	s3 =	ssub.s32 $0x0, s20;
	[sflag:s22] =	ssyncset.done $0x0  }
0xa0: {  	[sflag:s22] =	ssyncadd.s32 s3;
	_ =	sdelay $0x1  }
0xa1: {  	s23 =	simm.s32 $0x1B8B  }
0xa2: {  	_ =	swait.ge [sflag:s23], $0x1  }
0xa3: {  	[sflag:s23] =	ssyncset.done $0x0  }
0xa4: {  	s25 =	simm.s32 $0x1B8E;
	s24 =	sld [smem:$0x3FFE];
	[sflag:s23] =	ssyncadd.s32 $0xFFFFFFFF  }
0xa5: {  	s26 =	simm.s32 $execute0_lowered;
	[smem:$0x3FD2] =	sst s25  }
0xa6: {  	s4 =	sshll.u32 s26, $0x1;
	_ =	strace $0x80000046;
	[dreg:$0x1] =	wrdreg $0xFFFFFFFF  }
0xa7: {  	s28 =	simm.s32 $_size_execute0_lowered;
	s2 =	sadd.s32 s2, s4;
	[dreg:$0x0] =	wrdreg $0x0  }
0xa8: {  	s4 =	sshll.u32 s28, $0x1;
	[dreg:$0x2] =	wrdreg s2  }
0xa9: {  	[dreg:$0x3] =	wrdreg s4  }
0xaa: {  	[dreg:$0x4] =	wrdreg $0xC0  }
0xab: {  	_ =	task [dreg:s6], $0x5FFFF  }
0xac: {  	[dreg:$0x1] =	wrdreg $0xFFFFFFFF  }
0xad: {  	[dreg:$0x0] =	wrdreg $0x60  }
0xae: {  	[dreg:$0x2] =	wrdreg s24  }
0xaf: {  	[dreg:$0x3] =	wrdreg $0x9  }
0xb0: {  	_ =	task.clear_ibuf [dreg:s6], $0x4FFFF;
	_ =	strace $0x90000046  }
0xb1: {  	s29 =	simm.s32 $0x9;
	_ =	strace $0x80000048  }
0xb2: {  	_ =	swait.ge [sflag:s29], $0x1  }
0xb3: {  	[sflag:s29] =	ssyncadd.s32 $0xFFFFFFFF  }
0xb4: {  	_ =	strace $0x90000048  }
0xb5: {  	_ =	sfence  }
0xb6: {  	s30 =	sld [smem:$0x0];
	_ =	sdelay $0x2  }
0xb7: {  	s31 =	sshll.u32 s1, $0xD;
	s1 =	sshrl.u32 s1, $0x2  }
0xb8: {  	s3 =	sand.u32 $0x4000, s31;
	s1 =	sadd.s32 s1, s30  }
0xb9: {  	s0 =	sor.u32 s3, s0;
	s1 =	sshll.u32 s1, $0x11  }
0xba: {  	s0 =	sor.u32 s1, s0  }
0xbb: {  	s0 =	sadd.s32 $0x8F2B, s0  }
0xbc: {  	[sflag:s0] =	ssyncadd.remote.s32 $0x1  }
0xbd: {  	_ =	sfence.sel $0xFFFF  }
0xbe: {  	[dreg:$0x0] =	wrdreg $0xFFFFFFFF;
	(pc) =	sbr.abs _section_cstart, $3  }
0xbf: {  	[dreg:$0x1] =	wrdreg $0xFFFFFFFF  }
0xc0: {  	_ =	task.clear_ibuf [dreg:s6], $0x2FFFF;
	_ =	strace $0x9FFFFFFF  }
0xc1: {  	(tm) =	ssettm $0x7FFFFFFF  }
tec
execute0_lowered:
.L_overlay_start_1:
0x0: {  	(tag) =	ssettag $0x1  }
0x1: {  	s1 =	srdreg.scid  }
0x2: {  	s0 =	stileid.u32;
	s10 =	sand.u32 $0x1, s1  }
0x3: {  	s8 =	rddreg [dreg:$0x0];
	s3 =	sshll.u32 s0, $0xB;
	s4 =	sshll.u32 s10, $0xA  }
0x4: {  	s2 =	simm.s32 $0x0;
	s1 =	rddreg [dreg:$0x1];
	s9 =	sor.u32 s4, s3  }
0x5: {  	[smem:$0x7FF] =	sst s2;
	s11 =	sadd.s32 $0x2A00, s8;
	s3 =	sshrl.u32 s9, $0x3  }
0x6: {  	_ =	strace $0x80000047;
	s4 =	sadd.s32 s11, s3;
	s3 =	simm.s32 $0x2  }
0x7: {  	[tilespmem:s2], [sflag:$0x2] =	stream.linear.gather [hbm4b:s4+s2], $0x200, $0x38;
	[tilespmem:$0x10200] =	vst v63  }
0x8: {  	_ =	swait.ge [sflag:s3], $0x200  }
0x9: {  	s6 =	simm.s32 $0x200;
	[sflag:s3] =	ssyncset.done $0x0  }
0xa: {  	s7 =	simm.s32 $0x1;
	s5 =	sadd.s32 $0x3A00, s8;
	[sflag:s3] =	ssyncadd.s32 $0xFFFFFE00  }
0xb: {  	[tilespmem:s6], [sflag:$0x1] =	stream.indirect.gather [hbm4b:s5+s6], $0x80, s2, s6, $0xb8;
	[tilespmem:$0x10200] =	vst v63  }
0xc: {  	_ =	swait.ge [sflag:s7], $0x10000  }
0xd: {  	s12 =	sadd.s32 $0xBA00, s8;
	s29 =	sshll.u32 s9, $0x4;
	[sflag:s7] =	ssyncset.done $0x0  }
0xe: {  	s8 =	sadd.s32 s12, s29;
	[sflag:s7] =	ssyncadd.s32 $0xFFFF0000  }
0xf: {  	[hbm4b:s8+s2] =	stream.linear.scatter [tilespmem:s6], [sflag:$0x2], $0x10000, $0x38;
	[tilespmem:$0x10200] =	vst v63  }
0x10: {  	s13 =	sor.u32 $0x200, s9;
	_ =	swait.ge [sflag:s3], $0x10000  }
0x11: {  	s9 =	sshrl.u32 s13, $0x3;
	[sflag:s3] =	ssyncset.done $0x0  }
0x12: {  	s10 =	ssub.s32 $0x2, s10;
	s9 =	sadd.s32 s11, s9;
	[sflag:s3] =	ssyncadd.s32 $0xFFFF0000  }
0x13: {  	[tilespmem:s2], [sflag:$0x2] =	stream.linear.gather [hbm4b:s9+s2], $0x200, $0x38;
	[tilespmem:$0x10200] =	vst v63  }
0x14: {  	s30 =	sshrl.u32 s10, $0x1;
	_ =	swait.ge [sflag:s3], $0x200  }
0x15: {  	s11 =	ssub.s32 s10, s30;
	[sflag:s3] =	ssyncset.done $0x0  }
0x16: {  	s11 =	smax.u32 s11, $0x1;
	[sflag:s3] =	ssyncadd.s32 $0xFFFFFE00  }
0x17: {  	[tilespmem:s6], [sflag:$0x1] =	stream.indirect.gather [hbm4b:s5+s6], $0x80, s2, s6, $0xb8;
	[tilespmem:$0x10200] =	vst v63  }
0x18: {  	p0 =	sne.s32 s11, $0x1;
	_ =	swait.ge [sflag:s7], $0x10000  }
.Ltmp0:
0x19: {  	s31 =	sshll.u32 s13, $0x4;
	[sflag:s7] =	ssyncset.done $0x0;
	(pc) =	sbr.rel @!p0 .LBB2_2-.Ltmp0, $4  }
0x1a: {  	s10 =	sadd.s32 s12, s31;
	[sflag:s7] =	ssyncadd.s32 $0xFFFF0000  }
0x1b: {  	[hbm4b:s10+s2] =	stream.linear.scatter [tilespmem:s6], [sflag:$0x2], $0x10000, $0x38;
	[tilespmem:$0x10200] =	vst v63  }
0x1c: {  	_ =	swait.ge [sflag:s3], $0x10000  }
0x1d: {  	s11 =	sadd.s32 $0xFFFFFFFF, s11;
	[sflag:s3] =	ssyncset.done $0x0  }
.LBB2_1:
0x1e: {  	p0 =	sne.s32 s11, $0x1;
	s11 =	sadd.s32 $0xFFFFFFFF, s11;
	[sflag:s3] =	ssyncadd.s32 $0xFFFF0000  }
0x1f: {  	[tilespmem:s2], [sflag:$0x2] =	stream.linear.gather [hbm4b:s4+s2], $0x200, $0x38;
	[tilespmem:$0x10200] =	vst v63  }
0x20: {  	_ =	swait.ge [sflag:s3], $0x200  }
0x21: {  	[sflag:s3] =	ssyncset.done $0x0  }
0x22: {  	[sflag:s3] =	ssyncadd.s32 $0xFFFFFE00  }
0x23: {  	[tilespmem:s6], [sflag:$0x1] =	stream.indirect.gather [hbm4b:s5+s6], $0x80, s2, s6, $0xb8;
	[tilespmem:$0x10200] =	vst v63  }
0x24: {  	_ =	swait.ge [sflag:s7], $0x10000  }
0x25: {  	[sflag:s7] =	ssyncset.done $0x0  }
0x26: {  	[sflag:s7] =	ssyncadd.s32 $0xFFFF0000  }
0x27: {  	[hbm4b:s8+s2] =	stream.linear.scatter [tilespmem:s6], [sflag:$0x2], $0x10000, $0x38;
	[tilespmem:$0x10200] =	vst v63  }
0x28: {  	_ =	swait.ge [sflag:s3], $0x10000  }
0x29: {  	[sflag:s3] =	ssyncset.done $0x0  }
0x2a: {  	[sflag:s3] =	ssyncadd.s32 $0xFFFF0000  }
0x2b: {  	[tilespmem:s2], [sflag:$0x2] =	stream.linear.gather [hbm4b:s9+s2], $0x200, $0x38;
	[tilespmem:$0x10200] =	vst v63  }
0x2c: {  	_ =	swait.ge [sflag:s3], $0x200  }
0x2d: {  	[sflag:s3] =	ssyncset.done $0x0  }
0x2e: {  	[sflag:s3] =	ssyncadd.s32 $0xFFFFFE00  }
0x2f: {  	[tilespmem:s6], [sflag:$0x1] =	stream.indirect.gather [hbm4b:s5+s6], $0x80, s2, s6, $0xb8;
	[tilespmem:$0x10200] =	vst v63  }
0x30: {  	_ =	swait.ge [sflag:s7], $0x10000  }
.Ltmp1:
0x31: {  	[sflag:s7] =	ssyncset.done $0x0;
	(pc) =	sbr.rel @p0 .LBB2_1-.Ltmp1, $4  }
0x32: {  	[sflag:s7] =	ssyncadd.s32 $0xFFFF0000  }
0x33: {  	[hbm4b:s10+s2] =	stream.linear.scatter [tilespmem:s6], [sflag:$0x2], $0x10000, $0x38;
	[tilespmem:$0x10200] =	vst v63  }
0x34: {  	_ =	swait.ge [sflag:s3], $0x10000  }
0x35: {  	[sflag:s3] =	ssyncset.done $0x0  }
.LBB2_2:
0x36: {  	[sflag:s3] =	ssyncadd.s32 $0xFFFF0000  }
0x37: {  	_ =	sfence.sel $0x180000  }
0x38: {  	[bflag:$0x0] =	sbarrier.arrive $0xFFFF  }
0x39: {  	p0 =	sne.s32 s0, $0x0;
	_ =	strace $0x90000047  }
0x3a: {  	s0 =	sadd.s32 @!p0 $0x100000, s1;
	[bflag:$0x2] =	sbarrier.arrive $0xFFFF  }
0x3b: {  	[sflag:s0] =	ssyncadd.tile.s32 @!p0 $0x1;
	_ =	shalt  }
.Lfunc_end2:
_tile_overlayer_lowered:
.L_overlay_start_2:
0x3c: {  	(tag) =	ssettag $0x2  }
0x3d: {  	s0 =	rddreg [dreg:$0x0];
	s2 =	stileid.u32  }
0x3e: {  	s1 =	rddreg [dreg:$0x1];
	p0 =	sne.s32 s2, $0x0  }
0x3f: {  	s3 =	rddreg [dreg:$0x2];
	[bflag:$0x3] =	sbarrier.arrive $0xFFFF;
	s2 =	simm.s32 @!p0 $0x1C02  }
0x40: {  	[timem:s3], [sflag:s2] =	dma.local @!p0 [hbm:s0], s1  }
0x41: {  	s0 =	simm.s32 @!p0 $0x2  }
0x42: {  	_ =	swait.ge @!p0 [sflag:s0], s1  }
0x43: {  	s1 =	ssub.s32 @!p0 $0x0, s1;
	[sflag:s0] =	ssyncset.done @!p0 $0x0  }
0x44: {  	[sflag:s0] =	ssyncadd.s32 @!p0 s1  }
0x45: {  	[bflag:$0x3] =	sbarrier.arrive $0xFFFF  }
0x46: {  	_ =	shalt  }

// kernel: kernel.17.cloned.1.call-start
scs
__scs_entry_jumppad:
0x0: {  	(pc) =	sbr.rel $0x88, $3  }
0x1: {  	(tag) =	ssettag $0x0;
	lr =	simm.s32 $0x1  }
0x2: {  	[smem:$0x3F9E] =	sst lr;
	_ =	strace $0xD0000000  }
0x3: {  	_ = 	snop  }
0x4: {  	_ = 	snop  }
0x5: {  	_ = 	snop  }
0x6: {  	_ = 	snop  }
0x7: {  	_ = 	snop  }
__scs_overlays_trampoline_lowered:
0x8: {  	[smem:$0x3FAD] =	sst s0  }
0x9: {  	[smem:$0x3FAE] =	sst s1  }
0xa: {  	[smem:$0x3FAF] =	sst s2  }
0xb: {  	[smem:$0x3FB0] =	sst s3  }
0xc: {  	[smem:$0x3FB1] =	sst s4  }
0xd: {  	[smem:$0x3FB2] =	sst s5  }
0xe: {  	[smem:$0x3FB3] =	sst s6  }
0xf: {  	[smem:$0x3FB4] =	sst s7  }
0x10: {  	[smem:$0x3FB5] =	sst s8  }
0x11: {  	[smem:$0x3FB6] =	sst s9;
	s0 =	simm.s32 @!p0 $0x0  }
0x12: {  	s1 =	sld [smem:$0x3F9C];
	s0 =	simm.s32 @p0 $0x1  }
0x13: {  	[smem:$0x3FB7] =	sst s0;
	s0 =	simm.s32 @!p1 $0x0  }
0x14: {  	s2 =	sld [smem:$0x3F9B];
	s0 =	simm.s32 @p1 $0x1  }
0x15: {  	[smem:$0x3FB8] =	sst s0;
	s0 =	simm.s32 @!p2 $0x0  }
0x16: {  	s3 =	sld [smem:$0x3FDB];
	s0 =	simm.s32 @p2 $0x1  }
0x17: {  	s4 =	simm.s32 $0x1BF5;
	[smem:$0x3FBA] =	sst s0  }
0x18: {  	s0 =	sld [smem:$0x3F9D];
	_ =	swait.ge [sflag:s4], $0x0  }
0x19: {  	s7 =	sld [smem:$0x3F9E]  }
0x1a: {  	s8 =	sadd.s32 $0xFFFFE003, lr  }
0x1b: {  	s9 =	sadd.s32 $0xFFFFFEF7, lr;
	s5 =	simm.s32 $0xFFFFFFFF;
	p2 =	slt.u32 s8, $0xFFFFF086  }
0x1c: {  	p1 =	slt.u32 s9, $0xF7A;
	s5 =	simm.s32 @!p2 $0x0  }
0x1d: {  	s5 =	simm.s32 @p1 $0x1;
	p0 =	seq.s32 s7, s2  }
0x1e: {  	s7 =	smul.u32 @!p0 $0xF7A, s2;
	p2 =	seq.s32 @!p0 s5, $0x0  }
0x1f: {  	s9 =	smul.u32 $0xF7A, s1;
	s8 =	simm.s32 @!p0 $0x1BF5;
	p2 =	por !p2, p0  }
0x20: {  	[sflag:s8] =	ssyncset.s32 @!p0 $0xFFFFF086;
	s6 =	sadd.s32 @!p0 s3, s7;
	s7 =	simm.s32 @!p0 $0x108  }
0x21: {  	s3 =	sadd.s32 s3, s9;
	s6 =	sadd.s32 @!p0 $0x88, s6;
	s7 =	simm.s32 @p2 $0x1082  }
0x22: {  	[simem:s7], [sflag:s8] =	dma.local @!p0 [hbm:s6], $0xF7A  }
0x23: {  	s9 =	sor.u32 $0xD0000000, s2;
	s6 =	simm.s32 $0x108;
	_ =	swait.ge @!p0 [sflag:s8], $0x0  }
0x24: {  	s3 =	sadd.s32 $0x88, s3;
	s6 =	simm.s32 @!p1 $0x1082;
	[sflag:s4] =	ssyncset.s32 $0xFFFFF086  }
0x25: {  	[simem:s6], [sflag:s4] =	dma.local [hbm:s3], $0xF7A  }
0x26: {  	[smem:$0x3F9E] =	sst s1;
	(tag) =	ssettag s2;
	_ =	strace s9  }
0x27: {  	s1 =	sld [smem:$0x3FAE]  }
0x28: {  	s2 =	sld [smem:$0x3FAF]  }
0x29: {  	s4 =	sld [smem:$0x3FB1]  }
0x2a: {  	p0 =	seq.s32 s5, $0x0;
	s5 =	sld [smem:$0x3FB2]  }
0x2b: {  	s6 =	sld [smem:$0x3FB3]  }
0x2c: {  	s7 =	sld [smem:$0x3FB4]  }
0x2d: {  	s3 =	simm.s32 $0x108;
	s8 =	sld [smem:$0x3FB5]  }
0x2e: {  	s3 =	simm.s32 @!p0 $0x1082;
	s9 =	sld [smem:$0x3FB6]  }
0x2f: {  	lr =	sadd.s32 s0, s3;
	s0 =	sld [smem:$0x3FAD]  }
0x30: {  	s3 =	sld [smem:$0x3FB0]  }
0x31: {  	[smem:$0x3FB9] =	sst s10  }
0x32: {  	s10 =	sld [smem:$0x3FB7];
	_ =	sdelay $0x3  }
0x33: {  	p0 =	seq.s32 s10, $0x1;
	s10 =	sld [smem:$0x3FB9];
	_ =	sdelay $0x3  }
0x34: {  	[smem:$0x3FB9] =	sst s10  }
0x35: {  	s10 =	sld [smem:$0x3FB8];
	_ =	sdelay $0x3  }
0x36: {  	p1 =	seq.s32 s10, $0x1;
	s10 =	sld [smem:$0x3FB9];
	_ =	sdelay $0x3  }
0x37: {  	[smem:$0x3FB9] =	sst s10  }
0x38: {  	s10 =	sld [smem:$0x3FBA]  }
0x39: {  	_ = 	snop;
	(pc) =	sbr.ind lr, $3  }
0x3a: {  	_ = 	snop  }
0x3b: {  	_ = 	snop  }
0x3c: {  	p2 =	seq.s32 s10, $0x1;
	s10 =	sld [smem:$0x3FB9]  }
0x3d: {  	_ =	shalt  }
0x3e: {  	_ =	shalt  }
0x3f: {  	_ =	shalt  }
0x40: {  	_ =	shalt  }
0x41: {  	_ =	shalt  }
0x42: {  	_ =	shalt  }
0x43: {  	_ =	shalt  }
0x44: {  	_ =	shalt  }
0x45: {  	_ =	shalt  }
0x46: {  	_ =	shalt  }
0x47: {  	_ =	shalt  }
0x48: {  	_ =	shalt  }
0x49: {  	_ =	shalt  }
0x4a: {  	_ =	shalt  }
0x4b: {  	_ =	shalt  }
0x4c: {  	_ =	shalt  }
0x4d: {  	_ =	shalt  }
0x4e: {  	_ =	shalt  }
0x4f: {  	_ =	shalt  }
0x50: {  	_ =	shalt  }
0x51: {  	_ =	shalt  }
0x52: {  	_ =	shalt  }
0x53: {  	_ =	shalt  }
0x54: {  	_ =	shalt  }
0x55: {  	_ =	shalt  }
0x56: {  	_ =	shalt  }
0x57: {  	_ =	shalt  }
0x58: {  	_ =	shalt  }
0x59: {  	_ =	shalt  }
0x5a: {  	_ =	shalt  }
0x5b: {  	_ =	shalt  }
0x5c: {  	_ =	shalt  }
0x5d: {  	_ =	shalt  }
0x5e: {  	_ =	shalt  }
0x5f: {  	_ =	shalt  }
0x60: {  	_ =	shalt  }
0x61: {  	_ =	shalt  }
0x62: {  	_ =	shalt  }
0x63: {  	_ =	shalt  }
0x64: {  	_ =	shalt  }
0x65: {  	_ =	shalt  }
0x66: {  	_ =	shalt  }
0x67: {  	_ =	shalt  }
0x68: {  	_ =	shalt  }
0x69: {  	_ =	shalt  }
0x6a: {  	_ =	shalt  }
0x6b: {  	_ =	shalt  }
0x6c: {  	_ =	shalt  }
0x6d: {  	_ =	shalt  }
0x6e: {  	_ =	shalt  }
0x6f: {  	_ =	shalt  }
0x70: {  	_ =	shalt  }
0x71: {  	_ =	shalt  }
0x72: {  	_ =	shalt  }
0x73: {  	_ =	shalt  }
0x74: {  	_ =	shalt  }
0x75: {  	_ =	shalt  }
0x76: {  	_ =	shalt  }
0x77: {  	_ =	shalt  }
0x78: {  	_ =	shalt  }
0x79: {  	_ =	shalt  }
0x7a: {  	_ =	shalt  }
0x7b: {  	_ =	shalt  }
0x7c: {  	_ =	shalt  }
0x7d: {  	_ =	shalt  }
0x7e: {  	_ =	shalt  }
0x7f: {  	_ =	shalt  }
0x80: {  	_ =	shalt  }
0x81: {  	_ =	shalt  }
0x82: {  	_ =	shalt  }
0x83: {  	_ =	shalt  }
0x84: {  	_ =	shalt  }
0x85: {  	_ =	shalt  }
0x86: {  	_ =	shalt  }
0x87: {  	_ =	shalt  }
.Lfunc_end0:
.L_simem_size_0:
called_computation.1_lowered:
.L_overlay_start_0:
0x88: {  	s2 =	sld [smem:$0x3FD9]  }
0x89: {  	s3 =	sld [smem:$0x3FFE];
	_ =	sdelay $0x1  }
0x8a: {  	s1 =	srdreg.scid  }
0x8b: {  	s0 =	sand.u32 $0x1, s1  }
0x8c: {  	s17 =	sshll.u32 s0, $0xA;
	s2 =	sadd.s32 s3, s2  }
0x8d: {  	s2 =	sadd.s32 s2, s17  }
0x8e: {  	[smem:$0x3FC5] =	sst s2  }
0x8f: {  	_ = 	snop  }
0x90: {  	(tm) =	ssettm $0x1  }
0x91: {  	s18 =	sld [smem:$0x3FFB];
	_ =	sdelay $0x3  }
0x92: {  	_ =	strace s18  }
0x93: {  	s2 =	sld [smem:$0x3FFC];
	_ =	sdelay $0x3  }
0x94: {  	_ =	strace s2  }
0x95: {  	s2 =	sld [smem:$0x3FFD];
	_ =	sdelay $0x3  }
0x96: {  	_ =	strace s2  }
0x97: {  	_ =	strace $0x8FFFFFFF  }
0x98: {  	s19 =	sld [smem:$0x3FDB];
	_ =	sdelay $0x1  }
0x99: {  	s20 =	simm.s32 $_scs_section_size  }
0x9a: {  	s4 =	simm.s32 $_size__tile_overlayer_lowered;
	s5 =	simm.s32 $_tile_overlayer_lowered  }
0x9b: {  	s6 =	simm.s32 $0x1BFF;
	s21 =	sshll.u32 s5, $0x1;
	s3 =	sadd.s32 s20, s19  }
0x9c: {  	s22 =	simm.s32 $0x0;
	s4 =	sshll.u32 s4, $0x1;
	s5 =	sadd.s32 s21, s3  }
0x9d: {  	[timem:s22], [sflag:s6] =	dma.local [hbm:s5], s4  }
0x9e: {  	_ =	swait.ge [sflag:s6], s4  }
0x9f: {  	s4 =	ssub.s32 $0x0, s4;
	[sflag:s6] =	ssyncset.done $0x0  }
0xa0: {  	[sflag:s6] =	ssyncadd.s32 s4;
	_ =	sdelay $0x1  }
0xa1: {  	s23 =	simm.s32 $0x1B8B  }
0xa2: {  	_ =	swait.ge [sflag:s23], $0x1  }
0xa3: {  	[sflag:s23] =	ssyncset.done $0x0  }
0xa4: {  	[sflag:s23] =	ssyncadd.s32 $0xFFFFFFFF  }
0xa5: {  	s4 =	sld [smem:$0x0]  }
0xa6: {  	s5 =	sand.u32 $0xFFFFFFFE, s1  }
0xa7: {  	p0 =	sne.s32 s1, s5  }
0xa8: {  	s5 =	sshll.u32 @p0 s5, $0xE  }
0xa9: {  	s5 =	sadd.s32 @p0 $0x11B8D, s5;
	s6 =	sshll.u32 @p0 s4, $0x11  }
0xaa: {  	s5 =	sor.u32 @p0 s6, s5  }
0xab: {  	[sflag:s5] =	ssyncadd.remote.s32 @p0 $0x1;
	_ =	sdelay $0x1  }
0xac: {  	s5 =	simm.s32 @p0 $0x1B8D  }
0xad: {  	_ =	swait.eq @p0 [sflag:s5], $0x1  }
0xae: {  	[sflag:s5] =	ssyncadd.s32 @p0 $0xFFFFFFFF  }
0xaf: {  	s6 =	sshll.u32 @!p0 s1, $0xE  }
0xb0: {  	s6 =	sor.u32 @!p0 $0x4000, s6;
	s5 =	simm.s32 @!p0 $0x1B8D  }
0xb1: {  	s4 =	sshll.u32 @!p0 s4, $0x11;
	s6 =	sadd.s32 @!p0 $0x11B8D, s6;
	_ =	swait.eq @!p0 [sflag:s5], $0x1  }
0xb2: {  	s4 =	sor.u32 @!p0 s4, s6;
	[sflag:s5] =	ssyncadd.s32 @!p0 $0xFFFFFFFF  }
0xb3: {  	s25 =	simm.s32 $0x1B8E;
	s24 =	sld [smem:$0x3FFE];
	[sflag:s4] =	ssyncadd.remote.s32 @!p0 $0x1  }
0xb4: {  	s26 =	simm.s32 $execute0_lowered;
	[smem:$0x3FD2] =	sst s25  }
0xb5: {  	s5 =	sshll.u32 s26, $0x1;
	_ =	strace $0x80000049;
	[dreg:$0x1] =	wrdreg $0xFFFFFFFF  }
0xb6: {  	s28 =	simm.s32 $_size_execute0_lowered;
	s3 =	sadd.s32 s3, s5;
	[dreg:$0x0] =	wrdreg $0x0  }
0xb7: {  	s5 =	sshll.u32 s28, $0x1;
	[dreg:$0x2] =	wrdreg s3  }
0xb8: {  	[dreg:$0x3] =	wrdreg s5  }
0xb9: {  	[dreg:$0x4] =	wrdreg $0xC0  }
0xba: {  	_ =	task [dreg:s22], $0x5FFFF  }
0xbb: {  	[dreg:$0x1] =	wrdreg $0xFFFFFFFF  }
0xbc: {  	[dreg:$0x0] =	wrdreg $0x60  }
0xbd: {  	[dreg:$0x2] =	wrdreg s24  }
0xbe: {  	[dreg:$0x3] =	wrdreg $0xA  }
0xbf: {  	_ =	task.clear_ibuf [dreg:s22], $0x4FFFF;
	_ =	strace $0x90000049  }
0xc0: {  	s29 =	simm.s32 $0xA;
	_ =	strace $0x8000004B  }
0xc1: {  	_ =	swait.ge [sflag:s29], $0x1  }
0xc2: {  	[sflag:s29] =	ssyncadd.s32 $0xFFFFFFFF  }
0xc3: {  	_ =	strace $0x9000004B  }
0xc4: {  	_ =	sfence  }
0xc5: {  	s30 =	sld [smem:$0x0];
	_ =	sdelay $0x2  }
0xc6: {  	s31 =	sshll.u32 s1, $0xD;
	s1 =	sshrl.u32 s1, $0x2  }
0xc7: {  	s4 =	sand.u32 $0x4000, s31;
	s1 =	sadd.s32 s1, s30  }
0xc8: {  	s0 =	sor.u32 s4, s0;
	s1 =	sshll.u32 s1, $0x11  }
0xc9: {  	s0 =	sor.u32 s1, s0  }
0xca: {  	s0 =	sadd.s32 $0x8F2B, s0  }
0xcb: {  	[sflag:s0] =	ssyncadd.remote.s32 $0x1  }
0xcc: {  	_ =	sfence.sel $0xFFFF  }
0xcd: {  	[dreg:$0x0] =	wrdreg $0xFFFFFFFF;
	(pc) =	sbr.abs _section_cstart, $3  }
0xce: {  	[dreg:$0x1] =	wrdreg $0xFFFFFFFF  }
0xcf: {  	_ =	task.clear_ibuf [dreg:s22], $0x2FFFF;
	_ =	strace $0x9FFFFFFF  }
0xd0: {  	(tm) =	ssettm $0x7FFFFFFF  }
0xd1: {  	_ =	shalt  }
tec
execute0_lowered:
.L_overlay_start_1:
0x0: {  	(tag) =	ssettag $0x1  }
0x1: {  	s1 =	srdreg.scid  }
0x2: {  	s0 =	stileid.u32;
	s10 =	sand.u32 $0x1, s1  }
0x3: {  	s8 =	rddreg [dreg:$0x0];
	s3 =	sshll.u32 s0, $0xB;
	s4 =	sshll.u32 s10, $0xA  }
0x4: {  	s2 =	simm.s32 $0x0;
	s1 =	rddreg [dreg:$0x1];
	s9 =	sor.u32 s4, s3  }
0x5: {  	[smem:$0x7FF] =	sst s2;
	s11 =	sadd.s32 $0x93A00, s8;
	s3 =	sshrl.u32 s9, $0x3  }
0x6: {  	_ =	strace $0x8000004A;
	s4 =	sadd.s32 s11, s3;
	s3 =	simm.s32 $0x2  }
0x7: {  	[tilespmem:s2], [sflag:$0x2] =	stream.linear.gather [hbm4b:s4+s2], $0x200, $0x38;
	[tilespmem:$0x10200] =	vst v63  }
0x8: {  	_ =	swait.ge [sflag:s3], $0x200  }
0x9: {  	s6 =	simm.s32 $0x200;
	[sflag:s3] =	ssyncset.done $0x0  }
0xa: {  	s7 =	simm.s32 $0x1;
	s5 =	sadd.s32 $0x8BA00, s8;
	[sflag:s3] =	ssyncadd.s32 $0xFFFFFE00  }
0xb: {  	[tilespmem:s6], [sflag:$0x1] =	stream.indirect.gather [hbm4b:s5+s6], $0x80, s2, s6, $0xb8;
	[tilespmem:$0x10200] =	vst v63  }
0xc: {  	_ =	swait.ge [sflag:s7], $0x10000  }
0xd: {  	s12 =	sadd.s32 $0x94A00, s8;
	s29 =	sshll.u32 s9, $0x4;
	[sflag:s7] =	ssyncset.done $0x0  }
0xe: {  	s8 =	sadd.s32 s12, s29;
	[sflag:s7] =	ssyncadd.s32 $0xFFFF0000  }
0xf: {  	[hbm4b:s8+s2] =	stream.linear.scatter [tilespmem:s6], [sflag:$0x2], $0x10000, $0x38;
	[tilespmem:$0x10200] =	vst v63  }
0x10: {  	s13 =	sor.u32 $0x200, s9;
	_ =	swait.ge [sflag:s3], $0x10000  }
0x11: {  	s9 =	sshrl.u32 s13, $0x3;
	[sflag:s3] =	ssyncset.done $0x0  }
0x12: {  	s10 =	ssub.s32 $0x2, s10;
	s9 =	sadd.s32 s11, s9;
	[sflag:s3] =	ssyncadd.s32 $0xFFFF0000  }
0x13: {  	[tilespmem:s2], [sflag:$0x2] =	stream.linear.gather [hbm4b:s9+s2], $0x200, $0x38;
	[tilespmem:$0x10200] =	vst v63  }
0x14: {  	s30 =	sshrl.u32 s10, $0x1;
	_ =	swait.ge [sflag:s3], $0x200  }
0x15: {  	s11 =	ssub.s32 s10, s30;
	[sflag:s3] =	ssyncset.done $0x0  }
0x16: {  	s11 =	smax.u32 s11, $0x1;
	[sflag:s3] =	ssyncadd.s32 $0xFFFFFE00  }
0x17: {  	[tilespmem:s6], [sflag:$0x1] =	stream.indirect.gather [hbm4b:s5+s6], $0x80, s2, s6, $0xb8;
	[tilespmem:$0x10200] =	vst v63  }
0x18: {  	p0 =	sne.s32 s11, $0x1;
	_ =	swait.ge [sflag:s7], $0x10000  }
.Ltmp0:
0x19: {  	s31 =	sshll.u32 s13, $0x4;
	[sflag:s7] =	ssyncset.done $0x0;
	(pc) =	sbr.rel @!p0 .LBB2_2-.Ltmp0, $4  }
0x1a: {  	s10 =	sadd.s32 s12, s31;
	[sflag:s7] =	ssyncadd.s32 $0xFFFF0000  }
0x1b: {  	[hbm4b:s10+s2] =	stream.linear.scatter [tilespmem:s6], [sflag:$0x2], $0x10000, $0x38;
	[tilespmem:$0x10200] =	vst v63  }
0x1c: {  	_ =	swait.ge [sflag:s3], $0x10000  }
0x1d: {  	s11 =	sadd.s32 $0xFFFFFFFF, s11;
	[sflag:s3] =	ssyncset.done $0x0  }
.LBB2_1:
0x1e: {  	p0 =	sne.s32 s11, $0x1;
	s11 =	sadd.s32 $0xFFFFFFFF, s11;
	[sflag:s3] =	ssyncadd.s32 $0xFFFF0000  }
0x1f: {  	[tilespmem:s2], [sflag:$0x2] =	stream.linear.gather [hbm4b:s4+s2], $0x200, $0x38;
	[tilespmem:$0x10200] =	vst v63  }
0x20: {  	_ =	swait.ge [sflag:s3], $0x200  }
0x21: {  	[sflag:s3] =	ssyncset.done $0x0  }
0x22: {  	[sflag:s3] =	ssyncadd.s32 $0xFFFFFE00  }
0x23: {  	[tilespmem:s6], [sflag:$0x1] =	stream.indirect.gather [hbm4b:s5+s6], $0x80, s2, s6, $0xb8;
	[tilespmem:$0x10200] =	vst v63  }
0x24: {  	_ =	swait.ge [sflag:s7], $0x10000  }
0x25: {  	[sflag:s7] =	ssyncset.done $0x0  }
0x26: {  	[sflag:s7] =	ssyncadd.s32 $0xFFFF0000  }
0x27: {  	[hbm4b:s8+s2] =	stream.linear.scatter [tilespmem:s6], [sflag:$0x2], $0x10000, $0x38;
	[tilespmem:$0x10200] =	vst v63  }
0x28: {  	_ =	swait.ge [sflag:s3], $0x10000  }
0x29: {  	[sflag:s3] =	ssyncset.done $0x0  }
0x2a: {  	[sflag:s3] =	ssyncadd.s32 $0xFFFF0000  }
0x2b: {  	[tilespmem:s2], [sflag:$0x2] =	stream.linear.gather [hbm4b:s9+s2], $0x200, $0x38;
	[tilespmem:$0x10200] =	vst v63  }
0x2c: {  	_ =	swait.ge [sflag:s3], $0x200  }
0x2d: {  	[sflag:s3] =	ssyncset.done $0x0  }
0x2e: {  	[sflag:s3] =	ssyncadd.s32 $0xFFFFFE00  }
0x2f: {  	[tilespmem:s6], [sflag:$0x1] =	stream.indirect.gather [hbm4b:s5+s6], $0x80, s2, s6, $0xb8;
	[tilespmem:$0x10200] =	vst v63  }
0x30: {  	_ =	swait.ge [sflag:s7], $0x10000  }
.Ltmp1:
0x31: {  	[sflag:s7] =	ssyncset.done $0x0;
	(pc) =	sbr.rel @p0 .LBB2_1-.Ltmp1, $4  }
0x32: {  	[sflag:s7] =	ssyncadd.s32 $0xFFFF0000  }
0x33: {  	[hbm4b:s10+s2] =	stream.linear.scatter [tilespmem:s6], [sflag:$0x2], $0x10000, $0x38;
	[tilespmem:$0x10200] =	vst v63  }
0x34: {  	_ =	swait.ge [sflag:s3], $0x10000  }
0x35: {  	[sflag:s3] =	ssyncset.done $0x0  }
.LBB2_2:
0x36: {  	[sflag:s3] =	ssyncadd.s32 $0xFFFF0000  }
0x37: {  	_ =	sfence.sel $0x180000  }
0x38: {  	[bflag:$0x0] =	sbarrier.arrive $0xFFFF  }
0x39: {  	p0 =	sne.s32 s0, $0x0;
	_ =	strace $0x9000004A  }
0x3a: {  	s0 =	sadd.s32 @!p0 $0x100000, s1;
	[bflag:$0x2] =	sbarrier.arrive $0xFFFF  }
0x3b: {  	[sflag:s0] =	ssyncadd.tile.s32 @!p0 $0x1;
	_ =	shalt  }
.Lfunc_end2:
_tile_overlayer_lowered:
.L_overlay_start_2:
0x3c: {  	(tag) =	ssettag $0x2  }
0x3d: {  	s0 =	rddreg [dreg:$0x0];
	s2 =	stileid.u32  }
0x3e: {  	s1 =	rddreg [dreg:$0x1];
	p0 =	sne.s32 s2, $0x0  }
0x3f: {  	s3 =	rddreg [dreg:$0x2];
	[bflag:$0x3] =	sbarrier.arrive $0xFFFF;
	s2 =	simm.s32 @!p0 $0x1C02  }
0x40: {  	[timem:s3], [sflag:s2] =	dma.local @!p0 [hbm:s0], s1  }
0x41: {  	s0 =	simm.s32 @!p0 $0x2  }
0x42: {  	_ =	swait.ge @!p0 [sflag:s0], s1  }
0x43: {  	s1 =	ssub.s32 @!p0 $0x0, s1;
	[sflag:s0] =	ssyncset.done @!p0 $0x0  }
0x44: {  	[sflag:s0] =	ssyncadd.s32 @!p0 s1  }
0x45: {  	[bflag:$0x3] =	sbarrier.arrive $0xFFFF  }
0x46: {  	_ =	shalt  }

// kernel: kernel.20.cloned.1.call-start
scs
__scs_entry_jumppad:
0x0: {  	(pc) =	sbr.rel $0x88, $3  }
0x1: {  	(tag) =	ssettag $0x0;
	lr =	simm.s32 $0x1  }
0x2: {  	[smem:$0x3F9E] =	sst lr;
	_ =	strace $0xD0000000  }
0x3: {  	_ = 	snop  }
0x4: {  	_ = 	snop  }
0x5: {  	_ = 	snop  }
0x6: {  	_ = 	snop  }
0x7: {  	_ = 	snop  }
__scs_overlays_trampoline_lowered:
0x8: {  	[smem:$0x3FAD] =	sst s0  }
0x9: {  	[smem:$0x3FAE] =	sst s1  }
0xa: {  	[smem:$0x3FAF] =	sst s2  }
0xb: {  	[smem:$0x3FB0] =	sst s3  }
0xc: {  	[smem:$0x3FB1] =	sst s4  }
0xd: {  	[smem:$0x3FB2] =	sst s5  }
0xe: {  	[smem:$0x3FB3] =	sst s6  }
0xf: {  	[smem:$0x3FB4] =	sst s7  }
0x10: {  	[smem:$0x3FB5] =	sst s8  }
0x11: {  	[smem:$0x3FB6] =	sst s9;
	s0 =	simm.s32 @!p0 $0x0  }
0x12: {  	s1 =	sld [smem:$0x3F9C];
	s0 =	simm.s32 @p0 $0x1  }
0x13: {  	[smem:$0x3FB7] =	sst s0;
	s0 =	simm.s32 @!p1 $0x0  }
0x14: {  	s2 =	sld [smem:$0x3F9B];
	s0 =	simm.s32 @p1 $0x1  }
0x15: {  	[smem:$0x3FB8] =	sst s0;
	s0 =	simm.s32 @!p2 $0x0  }
0x16: {  	s3 =	sld [smem:$0x3FDB];
	s0 =	simm.s32 @p2 $0x1  }
0x17: {  	s4 =	simm.s32 $0x1BF5;
	[smem:$0x3FBA] =	sst s0  }
0x18: {  	s0 =	sld [smem:$0x3F9D];
	_ =	swait.ge [sflag:s4], $0x0  }
0x19: {  	s7 =	sld [smem:$0x3F9E]  }
0x1a: {  	s8 =	sadd.s32 $0xFFFFE003, lr  }
0x1b: {  	s9 =	sadd.s32 $0xFFFFFEF7, lr;
	s5 =	simm.s32 $0xFFFFFFFF;
	p2 =	slt.u32 s8, $0xFFFFF086  }
0x1c: {  	p1 =	slt.u32 s9, $0xF7A;
	s5 =	simm.s32 @!p2 $0x0  }
0x1d: {  	s5 =	simm.s32 @p1 $0x1;
	p0 =	seq.s32 s7, s2  }
0x1e: {  	s7 =	smul.u32 @!p0 $0xF7A, s2;
	p2 =	seq.s32 @!p0 s5, $0x0  }
0x1f: {  	s9 =	smul.u32 $0xF7A, s1;
	s8 =	simm.s32 @!p0 $0x1BF5;
	p2 =	por !p2, p0  }
0x20: {  	[sflag:s8] =	ssyncset.s32 @!p0 $0xFFFFF086;
	s6 =	sadd.s32 @!p0 s3, s7;
	s7 =	simm.s32 @!p0 $0x108  }
0x21: {  	s3 =	sadd.s32 s3, s9;
	s6 =	sadd.s32 @!p0 $0x88, s6;
	s7 =	simm.s32 @p2 $0x1082  }
0x22: {  	[simem:s7], [sflag:s8] =	dma.local @!p0 [hbm:s6], $0xF7A  }
0x23: {  	s9 =	sor.u32 $0xD0000000, s2;
	s6 =	simm.s32 $0x108;
	_ =	swait.ge @!p0 [sflag:s8], $0x0  }
0x24: {  	s3 =	sadd.s32 $0x88, s3;
	s6 =	simm.s32 @!p1 $0x1082;
	[sflag:s4] =	ssyncset.s32 $0xFFFFF086  }
0x25: {  	[simem:s6], [sflag:s4] =	dma.local [hbm:s3], $0xF7A  }
0x26: {  	[smem:$0x3F9E] =	sst s1;
	(tag) =	ssettag s2;
	_ =	strace s9  }
0x27: {  	s1 =	sld [smem:$0x3FAE]  }
0x28: {  	s2 =	sld [smem:$0x3FAF]  }
0x29: {  	s4 =	sld [smem:$0x3FB1]  }
0x2a: {  	p0 =	seq.s32 s5, $0x0;
	s5 =	sld [smem:$0x3FB2]  }
0x2b: {  	s6 =	sld [smem:$0x3FB3]  }
0x2c: {  	s7 =	sld [smem:$0x3FB4]  }
0x2d: {  	s3 =	simm.s32 $0x108;
	s8 =	sld [smem:$0x3FB5]  }
0x2e: {  	s3 =	simm.s32 @!p0 $0x1082;
	s9 =	sld [smem:$0x3FB6]  }
0x2f: {  	lr =	sadd.s32 s0, s3;
	s0 =	sld [smem:$0x3FAD]  }
0x30: {  	s3 =	sld [smem:$0x3FB0]  }
0x31: {  	[smem:$0x3FB9] =	sst s10  }
0x32: {  	s10 =	sld [smem:$0x3FB7];
	_ =	sdelay $0x3  }
0x33: {  	p0 =	seq.s32 s10, $0x1;
	s10 =	sld [smem:$0x3FB9];
	_ =	sdelay $0x3  }
0x34: {  	[smem:$0x3FB9] =	sst s10  }
0x35: {  	s10 =	sld [smem:$0x3FB8];
	_ =	sdelay $0x3  }
0x36: {  	p1 =	seq.s32 s10, $0x1;
	s10 =	sld [smem:$0x3FB9];
	_ =	sdelay $0x3  }
0x37: {  	[smem:$0x3FB9] =	sst s10  }
0x38: {  	s10 =	sld [smem:$0x3FBA]  }
0x39: {  	_ = 	snop;
	(pc) =	sbr.ind lr, $3  }
0x3a: {  	_ = 	snop  }
0x3b: {  	_ = 	snop  }
0x3c: {  	p2 =	seq.s32 s10, $0x1;
	s10 =	sld [smem:$0x3FB9]  }
0x3d: {  	_ =	shalt  }
0x3e: {  	_ =	shalt  }
0x3f: {  	_ =	shalt  }
0x40: {  	_ =	shalt  }
0x41: {  	_ =	shalt  }
0x42: {  	_ =	shalt  }
0x43: {  	_ =	shalt  }
0x44: {  	_ =	shalt  }
0x45: {  	_ =	shalt  }
0x46: {  	_ =	shalt  }
0x47: {  	_ =	shalt  }
0x48: {  	_ =	shalt  }
0x49: {  	_ =	shalt  }
0x4a: {  	_ =	shalt  }
0x4b: {  	_ =	shalt  }
0x4c: {  	_ =	shalt  }
0x4d: {  	_ =	shalt  }
0x4e: {  	_ =	shalt  }
0x4f: {  	_ =	shalt  }
0x50: {  	_ =	shalt  }
0x51: {  	_ =	shalt  }
0x52: {  	_ =	shalt  }
0x53: {  	_ =	shalt  }
0x54: {  	_ =	shalt  }
0x55: {  	_ =	shalt  }
0x56: {  	_ =	shalt  }
0x57: {  	_ =	shalt  }
0x58: {  	_ =	shalt  }
0x59: {  	_ =	shalt  }
0x5a: {  	_ =	shalt  }
0x5b: {  	_ =	shalt  }
0x5c: {  	_ =	shalt  }
0x5d: {  	_ =	shalt  }
0x5e: {  	_ =	shalt  }
0x5f: {  	_ =	shalt  }
0x60: {  	_ =	shalt  }
0x61: {  	_ =	shalt  }
0x62: {  	_ =	shalt  }
0x63: {  	_ =	shalt  }
0x64: {  	_ =	shalt  }
0x65: {  	_ =	shalt  }
0x66: {  	_ =	shalt  }
0x67: {  	_ =	shalt  }
0x68: {  	_ =	shalt  }
0x69: {  	_ =	shalt  }
0x6a: {  	_ =	shalt  }
0x6b: {  	_ =	shalt  }
0x6c: {  	_ =	shalt  }
0x6d: {  	_ =	shalt  }
0x6e: {  	_ =	shalt  }
0x6f: {  	_ =	shalt  }
0x70: {  	_ =	shalt  }
0x71: {  	_ =	shalt  }
0x72: {  	_ =	shalt  }
0x73: {  	_ =	shalt  }
0x74: {  	_ =	shalt  }
0x75: {  	_ =	shalt  }
0x76: {  	_ =	shalt  }
0x77: {  	_ =	shalt  }
0x78: {  	_ =	shalt  }
0x79: {  	_ =	shalt  }
0x7a: {  	_ =	shalt  }
0x7b: {  	_ =	shalt  }
0x7c: {  	_ =	shalt  }
0x7d: {  	_ =	shalt  }
0x7e: {  	_ =	shalt  }
0x7f: {  	_ =	shalt  }
0x80: {  	_ =	shalt  }
0x81: {  	_ =	shalt  }
0x82: {  	_ =	shalt  }
0x83: {  	_ =	shalt  }
0x84: {  	_ =	shalt  }
0x85: {  	_ =	shalt  }
0x86: {  	_ =	shalt  }
0x87: {  	_ =	shalt  }
.Lfunc_end0:
.L_simem_size_0:
called_computation.2_lowered:
.L_overlay_start_0:
0x88: {  	s2 =	sld [smem:$0x3FD9]  }
0x89: {  	s3 =	sld [smem:$0x3FFE];
	_ =	sdelay $0x1  }
0x8a: {  	s1 =	srdreg.scid  }
0x8b: {  	s0 =	sand.u32 $0x1, s1  }
0x8c: {  	s17 =	sshll.u32 s0, $0xA;
	s2 =	sadd.s32 s3, s2  }
0x8d: {  	s2 =	sadd.s32 s2, s17  }
0x8e: {  	[smem:$0x3FC5] =	sst s2  }
0x8f: {  	_ = 	snop  }
0x90: {  	(tm) =	ssettm $0x1  }
0x91: {  	s18 =	sld [smem:$0x3FFB];
	_ =	sdelay $0x3  }
0x92: {  	_ =	strace s18  }
0x93: {  	s2 =	sld [smem:$0x3FFC];
	_ =	sdelay $0x3  }
0x94: {  	_ =	strace s2  }
0x95: {  	s2 =	sld [smem:$0x3FFD];
	_ =	sdelay $0x3  }
0x96: {  	_ =	strace s2  }
0x97: {  	_ =	strace $0x8FFFFFFF  }
0x98: {  	s19 =	sld [smem:$0x3FDB];
	_ =	sdelay $0x1  }
0x99: {  	s20 =	simm.s32 $_scs_section_size  }
0x9a: {  	s4 =	simm.s32 $_size__tile_overlayer_lowered;
	s5 =	simm.s32 $_tile_overlayer_lowered  }
0x9b: {  	s6 =	simm.s32 $0x1BFF;
	s21 =	sshll.u32 s5, $0x1;
	s3 =	sadd.s32 s20, s19  }
0x9c: {  	s22 =	simm.s32 $0x0;
	s4 =	sshll.u32 s4, $0x1;
	s5 =	sadd.s32 s21, s3  }
0x9d: {  	[timem:s22], [sflag:s6] =	dma.local [hbm:s5], s4  }
0x9e: {  	_ =	swait.ge [sflag:s6], s4  }
0x9f: {  	s4 =	ssub.s32 $0x0, s4;
	[sflag:s6] =	ssyncset.done $0x0  }
0xa0: {  	[sflag:s6] =	ssyncadd.s32 s4;
	_ =	sdelay $0x1  }
0xa1: {  	s23 =	simm.s32 $0x1B8B  }
0xa2: {  	_ =	swait.ge [sflag:s23], $0x1  }
0xa3: {  	[sflag:s23] =	ssyncset.done $0x0  }
0xa4: {  	[sflag:s23] =	ssyncadd.s32 $0xFFFFFFFF  }
0xa5: {  	s4 =	sld [smem:$0x0]  }
0xa6: {  	s5 =	sand.u32 $0xFFFFFFFE, s1  }
0xa7: {  	p0 =	sne.s32 s1, s5  }
0xa8: {  	s5 =	sshll.u32 @p0 s5, $0xE  }
0xa9: {  	s5 =	sadd.s32 @p0 $0x11B8D, s5;
	s6 =	sshll.u32 @p0 s4, $0x11  }
0xaa: {  	s5 =	sor.u32 @p0 s6, s5  }
0xab: {  	[sflag:s5] =	ssyncadd.remote.s32 @p0 $0x1;
	_ =	sdelay $0x1  }
0xac: {  	s5 =	simm.s32 @p0 $0x1B8D  }
0xad: {  	_ =	swait.eq @p0 [sflag:s5], $0x1  }
0xae: {  	[sflag:s5] =	ssyncadd.s32 @p0 $0xFFFFFFFF  }
0xaf: {  	s6 =	sshll.u32 @!p0 s1, $0xE  }
0xb0: {  	s6 =	sor.u32 @!p0 $0x4000, s6;
	s5 =	simm.s32 @!p0 $0x1B8D  }
0xb1: {  	s4 =	sshll.u32 @!p0 s4, $0x11;
	s6 =	sadd.s32 @!p0 $0x11B8D, s6;
	_ =	swait.eq @!p0 [sflag:s5], $0x1  }
0xb2: {  	s4 =	sor.u32 @!p0 s4, s6;
	[sflag:s5] =	ssyncadd.s32 @!p0 $0xFFFFFFFF  }
0xb3: {  	s25 =	simm.s32 $0x1B8E;
	s24 =	sld [smem:$0x3FFE];
	[sflag:s4] =	ssyncadd.remote.s32 @!p0 $0x1  }
0xb4: {  	s26 =	simm.s32 $execute0_lowered;
	[smem:$0x3FD2] =	sst s25  }
0xb5: {  	s5 =	sshll.u32 s26, $0x1;
	_ =	strace $0x8000004C;
	[dreg:$0x1] =	wrdreg $0xFFFFFFFF  }
0xb6: {  	s28 =	simm.s32 $_size_execute0_lowered;
	s3 =	sadd.s32 s3, s5;
	[dreg:$0x0] =	wrdreg $0x0  }
0xb7: {  	s5 =	sshll.u32 s28, $0x1;
	[dreg:$0x2] =	wrdreg s3  }
0xb8: {  	[dreg:$0x3] =	wrdreg s5  }
0xb9: {  	[dreg:$0x4] =	wrdreg $0xC0  }
0xba: {  	_ =	task [dreg:s22], $0x5FFFF  }
0xbb: {  	[dreg:$0x1] =	wrdreg $0xFFFFFFFF  }
0xbc: {  	[dreg:$0x0] =	wrdreg $0x60  }
0xbd: {  	[dreg:$0x2] =	wrdreg s24  }
0xbe: {  	[dreg:$0x3] =	wrdreg $0xB  }
0xbf: {  	_ =	task.clear_ibuf [dreg:s22], $0x4FFFF;
	_ =	strace $0x9000004C  }
0xc0: {  	s29 =	simm.s32 $0xB;
	_ =	strace $0x8000004E  }
0xc1: {  	_ =	swait.ge [sflag:s29], $0x1  }
0xc2: {  	[sflag:s29] =	ssyncadd.s32 $0xFFFFFFFF  }
0xc3: {  	_ =	strace $0x9000004E  }
0xc4: {  	_ =	sfence  }
0xc5: {  	s30 =	sld [smem:$0x0];
	_ =	sdelay $0x2  }
0xc6: {  	s31 =	sshll.u32 s1, $0xD;
	s1 =	sshrl.u32 s1, $0x2  }
0xc7: {  	s4 =	sand.u32 $0x4000, s31;
	s1 =	sadd.s32 s1, s30  }
0xc8: {  	s0 =	sor.u32 s4, s0;
	s1 =	sshll.u32 s1, $0x11  }
0xc9: {  	s0 =	sor.u32 s1, s0  }
0xca: {  	s0 =	sadd.s32 $0x8F2B, s0  }
0xcb: {  	[sflag:s0] =	ssyncadd.remote.s32 $0x1  }
0xcc: {  	_ =	sfence.sel $0xFFFF  }
0xcd: {  	[dreg:$0x0] =	wrdreg $0xFFFFFFFF;
	(pc) =	sbr.abs _section_cstart, $3  }
0xce: {  	[dreg:$0x1] =	wrdreg $0xFFFFFFFF  }
0xcf: {  	_ =	task.clear_ibuf [dreg:s22], $0x2FFFF;
	_ =	strace $0x9FFFFFFF  }
0xd0: {  	(tm) =	ssettm $0x7FFFFFFF  }
0xd1: {  	_ =	shalt  }
tec
execute0_lowered:
.L_overlay_start_1:
0x0: {  	(tag) =	ssettag $0x1  }
0x1: {  	s1 =	srdreg.scid  }
0x2: {  	s0 =	stileid.u32;
	s10 =	sand.u32 $0x1, s1  }
0x3: {  	s8 =	rddreg [dreg:$0x0];
	s3 =	sshll.u32 s0, $0xB;
	s4 =	sshll.u32 s10, $0xA  }
0x4: {  	s2 =	simm.s32 $0x0;
	s1 =	rddreg [dreg:$0x1];
	s9 =	sor.u32 s4, s3  }
0x5: {  	[smem:$0x7FF] =	sst s2;
	s11 =	sadd.s32 $0x11CA00, s8;
	s3 =	sshrl.u32 s9, $0x3  }
0x6: {  	_ =	strace $0x8000004D;
	s4 =	sadd.s32 s11, s3;
	s3 =	simm.s32 $0x2  }
0x7: {  	[tilespmem:s2], [sflag:$0x2] =	stream.linear.gather [hbm4b:s4+s2], $0x200, $0x38;
	[tilespmem:$0x10200] =	vst v63  }
0x8: {  	_ =	swait.ge [sflag:s3], $0x200  }
0x9: {  	s6 =	simm.s32 $0x200;
	[sflag:s3] =	ssyncset.done $0x0  }
0xa: {  	s7 =	simm.s32 $0x1;
	s5 =	sadd.s32 $0x114A00, s8;
	[sflag:s3] =	ssyncadd.s32 $0xFFFFFE00  }
0xb: {  	[tilespmem:s6], [sflag:$0x1] =	stream.indirect.gather [hbm4b:s5+s6], $0x80, s2, s6, $0xb8;
	[tilespmem:$0x10200] =	vst v63  }
0xc: {  	_ =	swait.ge [sflag:s7], $0x10000  }
0xd: {  	s12 =	sadd.s32 $0x11DA00, s8;
	s29 =	sshll.u32 s9, $0x4;
	[sflag:s7] =	ssyncset.done $0x0  }
0xe: {  	s8 =	sadd.s32 s12, s29;
	[sflag:s7] =	ssyncadd.s32 $0xFFFF0000  }
0xf: {  	[hbm4b:s8+s2] =	stream.linear.scatter [tilespmem:s6], [sflag:$0x2], $0x10000, $0x38;
	[tilespmem:$0x10200] =	vst v63  }
0x10: {  	s13 =	sor.u32 $0x200, s9;
	_ =	swait.ge [sflag:s3], $0x10000  }
0x11: {  	s9 =	sshrl.u32 s13, $0x3;
	[sflag:s3] =	ssyncset.done $0x0  }
0x12: {  	s10 =	ssub.s32 $0x2, s10;
	s9 =	sadd.s32 s11, s9;
	[sflag:s3] =	ssyncadd.s32 $0xFFFF0000  }
0x13: {  	[tilespmem:s2], [sflag:$0x2] =	stream.linear.gather [hbm4b:s9+s2], $0x200, $0x38;
	[tilespmem:$0x10200] =	vst v63  }
0x14: {  	s30 =	sshrl.u32 s10, $0x1;
	_ =	swait.ge [sflag:s3], $0x200  }
0x15: {  	s11 =	ssub.s32 s10, s30;
	[sflag:s3] =	ssyncset.done $0x0  }
0x16: {  	s11 =	smax.u32 s11, $0x1;
	[sflag:s3] =	ssyncadd.s32 $0xFFFFFE00  }
0x17: {  	[tilespmem:s6], [sflag:$0x1] =	stream.indirect.gather [hbm4b:s5+s6], $0x80, s2, s6, $0xb8;
	[tilespmem:$0x10200] =	vst v63  }
0x18: {  	p0 =	sne.s32 s11, $0x1;
	_ =	swait.ge [sflag:s7], $0x10000  }
.Ltmp0:
0x19: {  	s31 =	sshll.u32 s13, $0x4;
	[sflag:s7] =	ssyncset.done $0x0;
	(pc) =	sbr.rel @!p0 .LBB2_2-.Ltmp0, $4  }
0x1a: {  	s10 =	sadd.s32 s12, s31;
	[sflag:s7] =	ssyncadd.s32 $0xFFFF0000  }
0x1b: {  	[hbm4b:s10+s2] =	stream.linear.scatter [tilespmem:s6], [sflag:$0x2], $0x10000, $0x38;
	[tilespmem:$0x10200] =	vst v63  }
0x1c: {  	_ =	swait.ge [sflag:s3], $0x10000  }
0x1d: {  	s11 =	sadd.s32 $0xFFFFFFFF, s11;
	[sflag:s3] =	ssyncset.done $0x0  }
.LBB2_1:
0x1e: {  	p0 =	sne.s32 s11, $0x1;
	s11 =	sadd.s32 $0xFFFFFFFF, s11;
	[sflag:s3] =	ssyncadd.s32 $0xFFFF0000  }
0x1f: {  	[tilespmem:s2], [sflag:$0x2] =	stream.linear.gather [hbm4b:s4+s2], $0x200, $0x38;
	[tilespmem:$0x10200] =	vst v63  }
0x20: {  	_ =	swait.ge [sflag:s3], $0x200  }
0x21: {  	[sflag:s3] =	ssyncset.done $0x0  }
0x22: {  	[sflag:s3] =	ssyncadd.s32 $0xFFFFFE00  }
0x23: {  	[tilespmem:s6], [sflag:$0x1] =	stream.indirect.gather [hbm4b:s5+s6], $0x80, s2, s6, $0xb8;
	[tilespmem:$0x10200] =	vst v63  }
0x24: {  	_ =	swait.ge [sflag:s7], $0x10000  }
0x25: {  	[sflag:s7] =	ssyncset.done $0x0  }
0x26: {  	[sflag:s7] =	ssyncadd.s32 $0xFFFF0000  }
0x27: {  	[hbm4b:s8+s2] =	stream.linear.scatter [tilespmem:s6], [sflag:$0x2], $0x10000, $0x38;
	[tilespmem:$0x10200] =	vst v63  }
0x28: {  	_ =	swait.ge [sflag:s3], $0x10000  }
0x29: {  	[sflag:s3] =	ssyncset.done $0x0  }
0x2a: {  	[sflag:s3] =	ssyncadd.s32 $0xFFFF0000  }
0x2b: {  	[tilespmem:s2], [sflag:$0x2] =	stream.linear.gather [hbm4b:s9+s2], $0x200, $0x38;
	[tilespmem:$0x10200] =	vst v63  }
0x2c: {  	_ =	swait.ge [sflag:s3], $0x200  }
0x2d: {  	[sflag:s3] =	ssyncset.done $0x0  }
0x2e: {  	[sflag:s3] =	ssyncadd.s32 $0xFFFFFE00  }
0x2f: {  	[tilespmem:s6], [sflag:$0x1] =	stream.indirect.gather [hbm4b:s5+s6], $0x80, s2, s6, $0xb8;
	[tilespmem:$0x10200] =	vst v63  }
0x30: {  	_ =	swait.ge [sflag:s7], $0x10000  }
.Ltmp1:
0x31: {  	[sflag:s7] =	ssyncset.done $0x0;
	(pc) =	sbr.rel @p0 .LBB2_1-.Ltmp1, $4  }
0x32: {  	[sflag:s7] =	ssyncadd.s32 $0xFFFF0000  }
0x33: {  	[hbm4b:s10+s2] =	stream.linear.scatter [tilespmem:s6], [sflag:$0x2], $0x10000, $0x38;
	[tilespmem:$0x10200] =	vst v63  }
0x34: {  	_ =	swait.ge [sflag:s3], $0x10000  }
0x35: {  	[sflag:s3] =	ssyncset.done $0x0  }
.LBB2_2:
0x36: {  	[sflag:s3] =	ssyncadd.s32 $0xFFFF0000  }
0x37: {  	_ =	sfence.sel $0x180000  }
0x38: {  	[bflag:$0x0] =	sbarrier.arrive $0xFFFF  }
0x39: {  	p0 =	sne.s32 s0, $0x0;
	_ =	strace $0x9000004D  }
0x3a: {  	s0 =	sadd.s32 @!p0 $0x100000, s1;
	[bflag:$0x2] =	sbarrier.arrive $0xFFFF  }
0x3b: {  	[sflag:s0] =	ssyncadd.tile.s32 @!p0 $0x1;
	_ =	shalt  }
.Lfunc_end2:
_tile_overlayer_lowered:
.L_overlay_start_2:
0x3c: {  	(tag) =	ssettag $0x2  }
0x3d: {  	s0 =	rddreg [dreg:$0x0];
	s2 =	stileid.u32  }
0x3e: {  	s1 =	rddreg [dreg:$0x1];
	p0 =	sne.s32 s2, $0x0  }
0x3f: {  	s3 =	rddreg [dreg:$0x2];
	[bflag:$0x3] =	sbarrier.arrive $0xFFFF;
	s2 =	simm.s32 @!p0 $0x1C02  }
0x40: {  	[timem:s3], [sflag:s2] =	dma.local @!p0 [hbm:s0], s1  }
0x41: {  	s0 =	simm.s32 @!p0 $0x2  }
0x42: {  	_ =	swait.ge @!p0 [sflag:s0], s1  }
0x43: {  	s1 =	ssub.s32 @!p0 $0x0, s1;
	[sflag:s0] =	ssyncset.done @!p0 $0x0  }
0x44: {  	[sflag:s0] =	ssyncadd.s32 @!p0 s1  }
0x45: {  	[bflag:$0x3] =	sbarrier.arrive $0xFFFF  }
0x46: {  	_ =	shalt  }

// kernel: kernel.23.cloned.1.call-start
scs
__scs_entry_jumppad:
0x0: {  	(pc) =	sbr.rel $0x88, $3  }
0x1: {  	(tag) =	ssettag $0x0;
	lr =	simm.s32 $0x1  }
0x2: {  	[smem:$0x3F9E] =	sst lr;
	_ =	strace $0xD0000000  }
0x3: {  	_ = 	snop  }
0x4: {  	_ = 	snop  }
0x5: {  	_ = 	snop  }
0x6: {  	_ = 	snop  }
0x7: {  	_ = 	snop  }
__scs_overlays_trampoline_lowered:
0x8: {  	[smem:$0x3FAD] =	sst s0  }
0x9: {  	[smem:$0x3FAE] =	sst s1  }
0xa: {  	[smem:$0x3FAF] =	sst s2  }
0xb: {  	[smem:$0x3FB0] =	sst s3  }
0xc: {  	[smem:$0x3FB1] =	sst s4  }
0xd: {  	[smem:$0x3FB2] =	sst s5  }
0xe: {  	[smem:$0x3FB3] =	sst s6  }
0xf: {  	[smem:$0x3FB4] =	sst s7  }
0x10: {  	[smem:$0x3FB5] =	sst s8  }
0x11: {  	[smem:$0x3FB6] =	sst s9;
	s0 =	simm.s32 @!p0 $0x0  }
0x12: {  	s1 =	sld [smem:$0x3F9C];
	s0 =	simm.s32 @p0 $0x1  }
0x13: {  	[smem:$0x3FB7] =	sst s0;
	s0 =	simm.s32 @!p1 $0x0  }
0x14: {  	s2 =	sld [smem:$0x3F9B];
	s0 =	simm.s32 @p1 $0x1  }
0x15: {  	[smem:$0x3FB8] =	sst s0;
	s0 =	simm.s32 @!p2 $0x0  }
0x16: {  	s3 =	sld [smem:$0x3FDB];
	s0 =	simm.s32 @p2 $0x1  }
0x17: {  	s4 =	simm.s32 $0x1BF5;
	[smem:$0x3FBA] =	sst s0  }
0x18: {  	s0 =	sld [smem:$0x3F9D];
	_ =	swait.ge [sflag:s4], $0x0  }
0x19: {  	s7 =	sld [smem:$0x3F9E]  }
0x1a: {  	s8 =	sadd.s32 $0xFFFFE003, lr  }
0x1b: {  	s9 =	sadd.s32 $0xFFFFFEF7, lr;
	s5 =	simm.s32 $0xFFFFFFFF;
	p2 =	slt.u32 s8, $0xFFFFF086  }
0x1c: {  	p1 =	slt.u32 s9, $0xF7A;
	s5 =	simm.s32 @!p2 $0x0  }
0x1d: {  	s5 =	simm.s32 @p1 $0x1;
	p0 =	seq.s32 s7, s2  }
0x1e: {  	s7 =	smul.u32 @!p0 $0xF7A, s2;
	p2 =	seq.s32 @!p0 s5, $0x0  }
0x1f: {  	s9 =	smul.u32 $0xF7A, s1;
	s8 =	simm.s32 @!p0 $0x1BF5;
	p2 =	por !p2, p0  }
0x20: {  	[sflag:s8] =	ssyncset.s32 @!p0 $0xFFFFF086;
	s6 =	sadd.s32 @!p0 s3, s7;
	s7 =	simm.s32 @!p0 $0x108  }
0x21: {  	s3 =	sadd.s32 s3, s9;
	s6 =	sadd.s32 @!p0 $0x88, s6;
	s7 =	simm.s32 @p2 $0x1082  }
0x22: {  	[simem:s7], [sflag:s8] =	dma.local @!p0 [hbm:s6], $0xF7A  }
0x23: {  	s9 =	sor.u32 $0xD0000000, s2;
	s6 =	simm.s32 $0x108;
	_ =	swait.ge @!p0 [sflag:s8], $0x0  }
0x24: {  	s3 =	sadd.s32 $0x88, s3;
	s6 =	simm.s32 @!p1 $0x1082;
	[sflag:s4] =	ssyncset.s32 $0xFFFFF086  }
0x25: {  	[simem:s6], [sflag:s4] =	dma.local [hbm:s3], $0xF7A  }
0x26: {  	[smem:$0x3F9E] =	sst s1;
	(tag) =	ssettag s2;
	_ =	strace s9  }
0x27: {  	s1 =	sld [smem:$0x3FAE]  }
0x28: {  	s2 =	sld [smem:$0x3FAF]  }
0x29: {  	s4 =	sld [smem:$0x3FB1]  }
0x2a: {  	p0 =	seq.s32 s5, $0x0;
	s5 =	sld [smem:$0x3FB2]  }
0x2b: {  	s6 =	sld [smem:$0x3FB3]  }
0x2c: {  	s7 =	sld [smem:$0x3FB4]  }
0x2d: {  	s3 =	simm.s32 $0x108;
	s8 =	sld [smem:$0x3FB5]  }
0x2e: {  	s3 =	simm.s32 @!p0 $0x1082;
	s9 =	sld [smem:$0x3FB6]  }
0x2f: {  	lr =	sadd.s32 s0, s3;
	s0 =	sld [smem:$0x3FAD]  }
0x30: {  	s3 =	sld [smem:$0x3FB0]  }
0x31: {  	[smem:$0x3FB9] =	sst s10  }
0x32: {  	s10 =	sld [smem:$0x3FB7];
	_ =	sdelay $0x3  }
0x33: {  	p0 =	seq.s32 s10, $0x1;
	s10 =	sld [smem:$0x3FB9];
	_ =	sdelay $0x3  }
0x34: {  	[smem:$0x3FB9] =	sst s10  }
0x35: {  	s10 =	sld [smem:$0x3FB8];
	_ =	sdelay $0x3  }
0x36: {  	p1 =	seq.s32 s10, $0x1;
	s10 =	sld [smem:$0x3FB9];
	_ =	sdelay $0x3  }
0x37: {  	[smem:$0x3FB9] =	sst s10  }
0x38: {  	s10 =	sld [smem:$0x3FBA]  }
0x39: {  	_ = 	snop;
	(pc) =	sbr.ind lr, $3  }
0x3a: {  	_ = 	snop  }
0x3b: {  	_ = 	snop  }
0x3c: {  	p2 =	seq.s32 s10, $0x1;
	s10 =	sld [smem:$0x3FB9]  }
0x3d: {  	_ =	shalt  }
0x3e: {  	_ =	shalt  }
0x3f: {  	_ =	shalt  }
0x40: {  	_ =	shalt  }
0x41: {  	_ =	shalt  }
0x42: {  	_ =	shalt  }
0x43: {  	_ =	shalt  }
0x44: {  	_ =	shalt  }
0x45: {  	_ =	shalt  }
0x46: {  	_ =	shalt  }
0x47: {  	_ =	shalt  }
0x48: {  	_ =	shalt  }
0x49: {  	_ =	shalt  }
0x4a: {  	_ =	shalt  }
0x4b: {  	_ =	shalt  }
0x4c: {  	_ =	shalt  }
0x4d: {  	_ =	shalt  }
0x4e: {  	_ =	shalt  }
0x4f: {  	_ =	shalt  }
0x50: {  	_ =	shalt  }
0x51: {  	_ =	shalt  }
0x52: {  	_ =	shalt  }
0x53: {  	_ =	shalt  }
0x54: {  	_ =	shalt  }
0x55: {  	_ =	shalt  }
0x56: {  	_ =	shalt  }
0x57: {  	_ =	shalt  }
0x58: {  	_ =	shalt  }
0x59: {  	_ =	shalt  }
0x5a: {  	_ =	shalt  }
0x5b: {  	_ =	shalt  }
0x5c: {  	_ =	shalt  }
0x5d: {  	_ =	shalt  }
0x5e: {  	_ =	shalt  }
0x5f: {  	_ =	shalt  }
0x60: {  	_ =	shalt  }
0x61: {  	_ =	shalt  }
0x62: {  	_ =	shalt  }
0x63: {  	_ =	shalt  }
0x64: {  	_ =	shalt  }
0x65: {  	_ =	shalt  }
0x66: {  	_ =	shalt  }
0x67: {  	_ =	shalt  }
0x68: {  	_ =	shalt  }
0x69: {  	_ =	shalt  }
0x6a: {  	_ =	shalt  }
0x6b: {  	_ =	shalt  }
0x6c: {  	_ =	shalt  }
0x6d: {  	_ =	shalt  }
0x6e: {  	_ =	shalt  }
0x6f: {  	_ =	shalt  }
0x70: {  	_ =	shalt  }
0x71: {  	_ =	shalt  }
0x72: {  	_ =	shalt  }
0x73: {  	_ =	shalt  }
0x74: {  	_ =	shalt  }
0x75: {  	_ =	shalt  }
0x76: {  	_ =	shalt  }
0x77: {  	_ =	shalt  }
0x78: {  	_ =	shalt  }
0x79: {  	_ =	shalt  }
0x7a: {  	_ =	shalt  }
0x7b: {  	_ =	shalt  }
0x7c: {  	_ =	shalt  }
0x7d: {  	_ =	shalt  }
0x7e: {  	_ =	shalt  }
0x7f: {  	_ =	shalt  }
0x80: {  	_ =	shalt  }
0x81: {  	_ =	shalt  }
0x82: {  	_ =	shalt  }
0x83: {  	_ =	shalt  }
0x84: {  	_ =	shalt  }
0x85: {  	_ =	shalt  }
0x86: {  	_ =	shalt  }
0x87: {  	_ =	shalt  }
.Lfunc_end0:
.L_simem_size_0:
called_computation.3_lowered:
.L_overlay_start_0:
0x88: {  	s2 =	sld [smem:$0x3FD9]  }
0x89: {  	s3 =	sld [smem:$0x3FFE];
	_ =	sdelay $0x1  }
0x8a: {  	s1 =	srdreg.scid  }
0x8b: {  	s0 =	sand.u32 $0x1, s1  }
0x8c: {  	s17 =	sshll.u32 s0, $0xA;
	s2 =	sadd.s32 s3, s2  }
0x8d: {  	s2 =	sadd.s32 s2, s17  }
0x8e: {  	[smem:$0x3FC5] =	sst s2  }
0x8f: {  	_ = 	snop  }
0x90: {  	s18 =	sld [smem:$0x3FD0];
	(tm) =	ssettm $0x1  }
0x91: {  	s19 =	sld [smem:$0x3FFB];
	_ =	sdelay $0x3  }
0x92: {  	_ =	strace s19  }
0x93: {  	s2 =	sld [smem:$0x3FFC];
	_ =	sdelay $0x3  }
0x94: {  	_ =	strace s2  }
0x95: {  	s2 =	sld [smem:$0x3FFD];
	_ =	sdelay $0x3  }
0x96: {  	_ =	strace s2  }
0x97: {  	_ =	strace $0x8FFFFFFF  }
0x98: {  	s20 =	sld [smem:$0x3FDB];
	_ =	sdelay $0x1  }
0x99: {  	s4 =	simm.s32 $_scs_section_size  }
0x9a: {  	s5 =	simm.s32 $_size__tile_overlayer_lowered;
	s6 =	simm.s32 $_tile_overlayer_lowered  }
0x9b: {  	s7 =	simm.s32 $0x1BFF;
	s21 =	sshll.u32 s6, $0x1;
	s4 =	sadd.s32 s4, s20  }
0x9c: {  	s22 =	simm.s32 $0x0;
	s5 =	sshll.u32 s5, $0x1;
	s6 =	sadd.s32 s21, s4  }
0x9d: {  	[timem:s22], [sflag:s7] =	dma.local [hbm:s6], s5  }
0x9e: {  	_ =	swait.ge [sflag:s7], s5  }
0x9f: {  	s5 =	ssub.s32 $0x0, s5;
	[sflag:s7] =	ssyncset.done $0x0  }
0xa0: {  	[sflag:s7] =	ssyncadd.s32 s5;
	_ =	sdelay $0x1  }
0xa1: {  	s23 =	simm.s32 $0x1B8B  }
0xa2: {  	_ =	swait.ge [sflag:s23], $0x1  }
0xa3: {  	[sflag:s23] =	ssyncset.done $0x0  }
0xa4: {  	[sflag:s23] =	ssyncadd.s32 $0xFFFFFFFF  }
0xa5: {  	s5 =	sld [smem:$0x0]  }
0xa6: {  	s6 =	sand.u32 $0xFFFFFFFE, s1  }
0xa7: {  	p0 =	sne.s32 s1, s6  }
0xa8: {  	s6 =	sshll.u32 @p0 s6, $0xE  }
0xa9: {  	s6 =	sadd.s32 @p0 $0x11B8D, s6;
	s7 =	sshll.u32 @p0 s5, $0x11  }
0xaa: {  	s6 =	sor.u32 @p0 s7, s6  }
0xab: {  	[sflag:s6] =	ssyncadd.remote.s32 @p0 $0x1;
	_ =	sdelay $0x1  }
0xac: {  	s6 =	simm.s32 @p0 $0x1B8D  }
0xad: {  	_ =	swait.eq @p0 [sflag:s6], $0x1  }
0xae: {  	[sflag:s6] =	ssyncadd.s32 @p0 $0xFFFFFFFF  }
0xaf: {  	s7 =	sshll.u32 @!p0 s1, $0xE  }
0xb0: {  	s7 =	sor.u32 @!p0 $0x4000, s7;
	s6 =	simm.s32 @!p0 $0x1B8D  }
0xb1: {  	s5 =	sshll.u32 @!p0 s5, $0x11;
	s7 =	sadd.s32 @!p0 $0x11B8D, s7;
	_ =	swait.eq @!p0 [sflag:s6], $0x1  }
0xb2: {  	s5 =	sor.u32 @!p0 s5, s7;
	[sflag:s6] =	ssyncadd.s32 @!p0 $0xFFFFFFFF  }
0xb3: {  	s25 =	simm.s32 $0x1B8E;
	s24 =	sld [smem:$0x3FFE];
	[sflag:s5] =	ssyncadd.remote.s32 @!p0 $0x1  }
0xb4: {  	s26 =	simm.s32 $execute0_lowered;
	[smem:$0x3FD2] =	sst s25  }
0xb5: {  	s6 =	sshll.u32 s26, $0x1;
	_ =	strace $0x8000004F;
	[dreg:$0x1] =	wrdreg $0xFFFFFFFF  }
0xb6: {  	s28 =	simm.s32 $_size_execute0_lowered;
	s4 =	sadd.s32 s4, s6;
	[dreg:$0x0] =	wrdreg $0x0  }
0xb7: {  	s6 =	sshll.u32 s28, $0x1;
	[dreg:$0x2] =	wrdreg s4  }
0xb8: {  	[dreg:$0x3] =	wrdreg s6  }
0xb9: {  	[dreg:$0x4] =	wrdreg $0xC0  }
0xba: {  	_ =	task [dreg:s22], $0x5FFFF  }
0xbb: {  	[dreg:$0x1] =	wrdreg $0xFFFFFFFF  }
0xbc: {  	[dreg:$0x0] =	wrdreg $0x60  }
0xbd: {  	[dreg:$0x2] =	wrdreg s18  }
0xbe: {  	[dreg:$0x3] =	wrdreg s24  }
0xbf: {  	[dreg:$0x4] =	wrdreg $0xC  }
0xc0: {  	_ =	task.clear_ibuf [dreg:s22], $0x5FFFF;
	_ =	strace $0x9000004F  }
0xc1: {  	s29 =	simm.s32 $0xC;
	_ =	strace $0x80000051  }
0xc2: {  	_ =	swait.ge [sflag:s29], $0x1  }
0xc3: {  	[sflag:s29] =	ssyncadd.s32 $0xFFFFFFFF  }
0xc4: {  	_ =	strace $0x90000051  }
0xc5: {  	_ =	sfence  }
0xc6: {  	s30 =	sld [smem:$0x0];
	_ =	sdelay $0x2  }
0xc7: {  	s31 =	sshll.u32 s1, $0xD;
	s1 =	sshrl.u32 s1, $0x2  }
0xc8: {  	s4 =	sand.u32 $0x4000, s31;
	s1 =	sadd.s32 s1, s30  }
0xc9: {  	s0 =	sor.u32 s4, s0;
	s1 =	sshll.u32 s1, $0x11  }
0xca: {  	s0 =	sor.u32 s1, s0  }
0xcb: {  	s0 =	sadd.s32 $0x8F2B, s0  }
0xcc: {  	[sflag:s0] =	ssyncadd.remote.s32 $0x1  }
0xcd: {  	_ =	sfence.sel $0xFFFF  }
0xce: {  	[dreg:$0x0] =	wrdreg $0xFFFFFFFF;
	(pc) =	sbr.abs _section_cstart, $3  }
0xcf: {  	[dreg:$0x1] =	wrdreg $0xFFFFFFFF  }
0xd0: {  	_ =	task.clear_ibuf [dreg:s22], $0x2FFFF;
	_ =	strace $0x9FFFFFFF  }
0xd1: {  	(tm) =	ssettm $0x7FFFFFFF  }
tec
execute0_lowered:
.L_overlay_start_1:
0x0: {  	(tag) =	ssettag $0x1  }
0x1: {  	s1 =	srdreg.scid  }
0x2: {  	s2 =	rddreg [dreg:$0x0];
	s0 =	stileid.u32;
	s10 =	sand.u32 $0x1, s1  }
0x3: {  	s8 =	rddreg [dreg:$0x1];
	s4 =	sshll.u32 s0, $0xB;
	s5 =	sshll.u32 s10, $0xA  }
0x4: {  	s3 =	simm.s32 $0x0;
	s1 =	rddreg [dreg:$0x2];
	s9 =	sor.u32 s5, s4  }
0x5: {  	[smem:$0x7FF] =	sst s3;
	s11 =	sadd.s32 $0x19DA00, s8;
	s4 =	sshrl.u32 s9, $0x3  }
0x6: {  	_ =	strace $0x80000050;
	s5 =	sadd.s32 s11, s4;
	s4 =	simm.s32 $0x2  }
0x7: {  	[tilespmem:s3], [sflag:$0x2] =	stream.linear.gather [hbm4b:s5+s3], $0x200, $0x38;
	[tilespmem:$0x10200] =	vst v63  }
0x8: {  	_ =	swait.ge [sflag:s4], $0x200  }
0x9: {  	[sflag:s4] =	ssyncset.done $0x0  }
0xa: {  	s6 =	simm.s32 $0x200;
	s7 =	simm.s32 $0x1;
	[sflag:s4] =	ssyncadd.s32 $0xFFFFFE00  }
0xb: {  	[tilespmem:s6], [sflag:$0x1] =	stream.indirect.gather [hbm4b:s2+s6], $0x80, s3, s6, $0xb8;
	[tilespmem:$0x10200] =	vst v63  }
0xc: {  	_ =	swait.ge [sflag:s7], $0x10000  }
0xd: {  	s12 =	sadd.s32 $0x19EA00, s8;
	s29 =	sshll.u32 s9, $0x4;
	[sflag:s7] =	ssyncset.done $0x0  }
0xe: {  	s8 =	sadd.s32 s12, s29;
	[sflag:s7] =	ssyncadd.s32 $0xFFFF0000  }
0xf: {  	[hbm4b:s8+s3] =	stream.linear.scatter [tilespmem:s6], [sflag:$0x2], $0x10000, $0x38;
	[tilespmem:$0x10200] =	vst v63  }
0x10: {  	s13 =	sor.u32 $0x200, s9;
	_ =	swait.ge [sflag:s4], $0x10000  }
0x11: {  	s9 =	sshrl.u32 s13, $0x3;
	[sflag:s4] =	ssyncset.done $0x0  }
0x12: {  	s10 =	ssub.s32 $0x2, s10;
	s9 =	sadd.s32 s11, s9;
	[sflag:s4] =	ssyncadd.s32 $0xFFFF0000  }
0x13: {  	[tilespmem:s3], [sflag:$0x2] =	stream.linear.gather [hbm4b:s9+s3], $0x200, $0x38;
	[tilespmem:$0x10200] =	vst v63  }
0x14: {  	s30 =	sshrl.u32 s10, $0x1;
	_ =	swait.ge [sflag:s4], $0x200  }
0x15: {  	s11 =	ssub.s32 s10, s30;
	[sflag:s4] =	ssyncset.done $0x0  }
0x16: {  	s11 =	smax.u32 s11, $0x1;
	[sflag:s4] =	ssyncadd.s32 $0xFFFFFE00  }
0x17: {  	[tilespmem:s6], [sflag:$0x1] =	stream.indirect.gather [hbm4b:s2+s6], $0x80, s3, s6, $0xb8;
	[tilespmem:$0x10200] =	vst v63  }
0x18: {  	p0 =	sne.s32 s11, $0x1;
	_ =	swait.ge [sflag:s7], $0x10000  }
.Ltmp0:
0x19: {  	s31 =	sshll.u32 s13, $0x4;
	[sflag:s7] =	ssyncset.done $0x0;
	(pc) =	sbr.rel @!p0 .LBB2_2-.Ltmp0, $4  }
0x1a: {  	s10 =	sadd.s32 s12, s31;
	[sflag:s7] =	ssyncadd.s32 $0xFFFF0000  }
0x1b: {  	[hbm4b:s10+s3] =	stream.linear.scatter [tilespmem:s6], [sflag:$0x2], $0x10000, $0x38;
	[tilespmem:$0x10200] =	vst v63  }
0x1c: {  	_ =	swait.ge [sflag:s4], $0x10000  }
0x1d: {  	s11 =	sadd.s32 $0xFFFFFFFF, s11;
	[sflag:s4] =	ssyncset.done $0x0  }
.LBB2_1:
0x1e: {  	p0 =	sne.s32 s11, $0x1;
	s11 =	sadd.s32 $0xFFFFFFFF, s11;
	[sflag:s4] =	ssyncadd.s32 $0xFFFF0000  }
0x1f: {  	[tilespmem:s3], [sflag:$0x2] =	stream.linear.gather [hbm4b:s5+s3], $0x200, $0x38;
	[tilespmem:$0x10200] =	vst v63  }
0x20: {  	_ =	swait.ge [sflag:s4], $0x200  }
0x21: {  	[sflag:s4] =	ssyncset.done $0x0  }
0x22: {  	[sflag:s4] =	ssyncadd.s32 $0xFFFFFE00  }
0x23: {  	[tilespmem:s6], [sflag:$0x1] =	stream.indirect.gather [hbm4b:s2+s6], $0x80, s3, s6, $0xb8;
	[tilespmem:$0x10200] =	vst v63  }
0x24: {  	_ =	swait.ge [sflag:s7], $0x10000  }
0x25: {  	[sflag:s7] =	ssyncset.done $0x0  }
0x26: {  	[sflag:s7] =	ssyncadd.s32 $0xFFFF0000  }
0x27: {  	[hbm4b:s8+s3] =	stream.linear.scatter [tilespmem:s6], [sflag:$0x2], $0x10000, $0x38;
	[tilespmem:$0x10200] =	vst v63  }
0x28: {  	_ =	swait.ge [sflag:s4], $0x10000  }
0x29: {  	[sflag:s4] =	ssyncset.done $0x0  }
0x2a: {  	[sflag:s4] =	ssyncadd.s32 $0xFFFF0000  }
0x2b: {  	[tilespmem:s3], [sflag:$0x2] =	stream.linear.gather [hbm4b:s9+s3], $0x200, $0x38;
	[tilespmem:$0x10200] =	vst v63  }
0x2c: {  	_ =	swait.ge [sflag:s4], $0x200  }
0x2d: {  	[sflag:s4] =	ssyncset.done $0x0  }
0x2e: {  	[sflag:s4] =	ssyncadd.s32 $0xFFFFFE00  }
0x2f: {  	[tilespmem:s6], [sflag:$0x1] =	stream.indirect.gather [hbm4b:s2+s6], $0x80, s3, s6, $0xb8;
	[tilespmem:$0x10200] =	vst v63  }
0x30: {  	_ =	swait.ge [sflag:s7], $0x10000  }
.Ltmp1:
0x31: {  	[sflag:s7] =	ssyncset.done $0x0;
	(pc) =	sbr.rel @p0 .LBB2_1-.Ltmp1, $4  }
0x32: {  	[sflag:s7] =	ssyncadd.s32 $0xFFFF0000  }
0x33: {  	[hbm4b:s10+s3] =	stream.linear.scatter [tilespmem:s6], [sflag:$0x2], $0x10000, $0x38;
	[tilespmem:$0x10200] =	vst v63  }
0x34: {  	_ =	swait.ge [sflag:s4], $0x10000  }
0x35: {  	[sflag:s4] =	ssyncset.done $0x0  }
.LBB2_2:
0x36: {  	[sflag:s4] =	ssyncadd.s32 $0xFFFF0000  }
0x37: {  	_ =	sfence.sel $0x180000  }
0x38: {  	[bflag:$0x0] =	sbarrier.arrive $0xFFFF  }
0x39: {  	p0 =	sne.s32 s0, $0x0;
	_ =	strace $0x90000050  }
0x3a: {  	s0 =	sadd.s32 @!p0 $0x100000, s1;
	[bflag:$0x2] =	sbarrier.arrive $0xFFFF  }
0x3b: {  	[sflag:s0] =	ssyncadd.tile.s32 @!p0 $0x1;
	_ =	shalt  }
.Lfunc_end2:
_tile_overlayer_lowered:
.L_overlay_start_2:
0x3c: {  	(tag) =	ssettag $0x2  }
0x3d: {  	s0 =	rddreg [dreg:$0x0];
	s2 =	stileid.u32  }
0x3e: {  	s1 =	rddreg [dreg:$0x1];
	p0 =	sne.s32 s2, $0x0  }
0x3f: {  	s3 =	rddreg [dreg:$0x2];
	[bflag:$0x3] =	sbarrier.arrive $0xFFFF;
	s2 =	simm.s32 @!p0 $0x1C02  }
0x40: {  	[timem:s3], [sflag:s2] =	dma.local @!p0 [hbm:s0], s1  }
0x41: {  	s0 =	simm.s32 @!p0 $0x2  }
0x42: {  	_ =	swait.ge @!p0 [sflag:s0], s1  }
0x43: {  	s1 =	ssub.s32 @!p0 $0x0, s1;
	[sflag:s0] =	ssyncset.done @!p0 $0x0  }
0x44: {  	[sflag:s0] =	ssyncadd.s32 @!p0 s1  }
0x45: {  	[bflag:$0x3] =	sbarrier.arrive $0xFFFF  }
0x46: {  	_ =	shalt  }

</sc_bundles>
